<compile_context>
chip_gen: v7x
topology: tpu7x:2x2x1
jax: 0.10.2.dev20260603
libtpu: 0.0.44.dev20260713+nightly
codegen_flags: <defaults>
</compile_context>

<pallas_src>
import dataclasses

import jax
import jax.numpy as jnp
from jax import lax
from jax.experimental import pallas as pl
from jax.experimental.pallas import tpu as pltpu
from jax.experimental.pallas import tpu_sc as plsc

SVC_NUM = 1000
INSTANCE_NUM = 6000
NODE_NUM = 3000
D = 128
E_SVC = 32000
E_IN = 192000
E_NI = 192000

NUM_CORES = 2
NUM_SUBCORES = 16
NUM_TILES = NUM_CORES * NUM_SUBCORES

OD_SVC = 0
ID_SVC = 1008
OD_INST = 2016
ID_NODE = 8016
OD_NODE = 11024
ID_INST = 14032
NB = 20480

E_SVC_PAD = 33792
EH = 2 * E_SVC_PAD + 2 * E_IN + 2 * E_NI
H_PER_TILE = EH // NUM_TILES


TBL_SVC = 0
TBL_INST = SVC_NUM
TBL_NODE = SVC_NUM + INSTANCE_NUM
N_SRC = SVC_NUM + INSTANCE_NUM + NODE_NUM

AGG_NODE = 0
AGG_SVC = 3008
AGG_INST = 0
NAGG = 6016
STRIPE = NAGG // NUM_SUBCORES

KE = 128
NSTEP0 = 110
NSTEP1 = 94
NBUF = 3
LOOP_HI = 111
JUNK_ROW = 6000

_MESH = lambda: plsc.VectorSubcoreMesh(core_axis_name="c", subcore_axis_name="s")


def _compiler_params():
    cp = pltpu.CompilerParams()
    if "needs_layout_passes" in pltpu.CompilerParams.__dataclass_fields__:
        cp = dataclasses.replace(cp, needs_layout_passes=False)
    return cp


def _hist_call(hist_idx):

    @pl.kernel(
        out_type=jax.ShapeDtypeStruct((NUM_TILES, NB), jnp.float32),
        mesh=_MESH(),
        scratch_types=[
            pltpu.VMEM((NB,), jnp.float32),
            pltpu.VMEM((H_PER_TILE // 128, 128), jnp.int32),
            pltpu.SemaphoreType.DMA,
        ],
        compiler_params=_compiler_params(),
    )
    def hist_kernel(idx_hbm, out_hbm, bins_v, idx_v, isem):
        c = lax.axis_index("c")
        s = lax.axis_index("s")
        wid = c * NUM_SUBCORES + s
        zeros16 = jnp.zeros((16,), jnp.float32)
        ones16 = jnp.ones((16,), jnp.float32)

        pltpu.async_copy(idx_hbm.at[wid], idx_v, isem)

        @pl.loop(0, NB, step=16)
        def _(i):
            bins_v[pl.ds(i, 16)] = zeros16

        pltpu.make_async_copy(idx_hbm.at[wid], idx_v, isem).wait()

        @pl.loop(0, H_PER_TILE // 128)
        def _(r):
            @pl.loop(0, 128, step=16)
            def _(j):
                idx = idx_v[r, pl.ds(j, 16)]
                plsc.addupdate_scatter(bins_v, [idx], ones16)

        pltpu.sync_copy(bins_v, out_hbm.at[wid])

    return hist_kernel(hist_idx.reshape(NUM_TILES, H_PER_TILE // 128, 128))


def _agg_call(src_all, dst_all, xs, zeros_stripe):

    @pl.kernel(
        out_type=jax.ShapeDtypeStruct((NUM_CORES, NAGG, D), jnp.float32),
        mesh=_MESH(),
        scratch_types=(
            [pltpu.VMEM((KE, D), jnp.float32) for _ in range(NBUF)]
            + [
                pltpu.VMEM((NSTEP0, KE), jnp.int32),
                pltpu.VMEM((NSTEP0, KE), jnp.int32),
                pltpu.VMEM_SHARED((NAGG, D), jnp.float32),
            ]
            + [pltpu.SemaphoreType.DMA for _ in range(NBUF + 1)]
        ),
        compiler_params=_compiler_params(),
    )
    def agg_kernel(src_hbm, dst_hbm, xs_hbm, z_hbm, out_hbm,
                   r0, r1, r2, src_v, dst_v, agg_sh,
                   g0, g1, g2, isem):
        rows_v = (r0, r1, r2)
        gsem = (g0, g1, g2)
        c = lax.axis_index("c")
        s = lax.axis_index("s")
        nstep = jnp.where(c == 0, NSTEP0, NSTEP1)

        pltpu.async_copy(src_hbm.at[c, s], src_v, isem)
        pltpu.sync_copy(z_hbm, agg_sh.at[pl.ds(s * STRIPE, STRIPE)])
        pltpu.async_copy(dst_hbm.at[c, s], dst_v, isem)
        pltpu.make_async_copy(src_hbm.at[c, s], src_v, isem).wait()
        pltpu.make_async_copy(dst_hbm.at[c, s], dst_v, isem).wait()
        plsc.subcore_barrier()

        for b in range(NBUF):
            pltpu.async_copy(xs_hbm.at[src_v.at[b]], rows_v[b], gsem[b])

        @pl.loop(0, LOOP_HI, step=NBUF)
        def _(g):
            for b in range(NBUF):
                chunk = g + b

                @pl.when(chunk < nstep)
                def _():
                    pltpu.make_async_copy(
                        xs_hbm.at[src_v.at[chunk]], rows_v[b], gsem[b]).wait()
                    pltpu.sync_copy(
                        rows_v[b], agg_sh.at[dst_v.at[chunk]], add=True)

                    @pl.when(chunk + NBUF < nstep)
                    def _():
                        pltpu.async_copy(
                            xs_hbm.at[src_v.at[chunk + NBUF]], rows_v[b],
                            gsem[b])

        plsc.subcore_barrier()
        pltpu.sync_copy(
            agg_sh.at[pl.ds(s * STRIPE, STRIPE)],
            out_hbm.at[c, pl.ds(s * STRIPE, STRIPE)],
        )

    return agg_kernel(src_all, dst_all, xs, zeros_stripe)


def _scale_src_call(hist32, big_x):

    def body(hist_ref, x_ref, xs_ref, rs_ref):
        h = jnp.sum(hist_ref[...], axis=0)
        rs = lax.rsqrt(jnp.maximum(h, 1.0))
        rs_ref[...] = rs
        rsf = rs.reshape(-1)
        scale = jnp.concatenate([
            rsf[OD_SVC:OD_SVC + SVC_NUM],
            rsf[OD_INST:OD_INST + INSTANCE_NUM],
            rsf[OD_NODE:OD_NODE + NODE_NUM],
        ])
        xs_ref[...] = x_ref[...] * scale[:, None]

    return pl.pallas_call(
        body,
        out_shape=(
            jax.ShapeDtypeStruct((N_SRC, D), jnp.float32),
            jax.ShapeDtypeStruct((NB // 128, 128), jnp.float32),
        ),
    )(hist32, big_x)


def _finish_call(aggp, rs2, W_inst, b_inst, W_node, b_node, W_svc, b_svc):

    def body(a_ref, rs_ref, wi_ref, bi_ref, wn_ref, bn_ref, ws_ref, bs_ref,
             o_ref):
        rsf = rs_ref[...].reshape(-1)

        def rel(agg, seg, n, w, b):
            a = agg * rsf[seg:seg + n][:, None]
            z = jnp.dot(a, w, preferred_element_type=jnp.float32) + b[None, :]
            return jnp.maximum(z, 0.0) + 0.01 * jnp.minimum(z, 0.0)

        o_ref[0:NODE_NUM] = rel(
            a_ref[0, AGG_NODE:AGG_NODE + NODE_NUM], ID_NODE, NODE_NUM,
            wi_ref[...], bi_ref[...])
        o_ref[NODE_NUM:NODE_NUM + INSTANCE_NUM] = rel(
            a_ref[1, AGG_INST:AGG_INST + INSTANCE_NUM], ID_INST, INSTANCE_NUM,
            wn_ref[...], bn_ref[...])
        o_ref[NODE_NUM + INSTANCE_NUM:] = rel(
            a_ref[0, AGG_SVC:AGG_SVC + SVC_NUM], ID_SVC, SVC_NUM,
            ws_ref[...], bs_ref[...])

    return pl.pallas_call(
        body,
        out_shape=jax.ShapeDtypeStruct((NODE_NUM + INSTANCE_NUM + SVC_NUM, D),
                                       jnp.float32),
    )(aggp, rs2, W_inst, b_inst, W_node, b_node, W_svc, b_svc)


def kernel(svc_feat, instance_feat, node_feat, svc_edge_index,
           instance_node_edge_index, node_instance_edge_index,
           W_svc, b_svc, W_inst, b_inst, W_node, b_node):
    svc_e = svc_edge_index.astype(jnp.int32)
    in_e = instance_node_edge_index.astype(jnp.int32)
    ni_e = node_instance_edge_index.astype(jnp.int32)

    pad = jnp.full((E_SVC_PAD - E_SVC,), SVC_NUM, jnp.int32)
    hist_idx = jnp.concatenate([
        svc_e[0] + OD_SVC, pad + OD_SVC,
        svc_e[1] + ID_SVC, pad + ID_SVC,
        in_e[0] + OD_INST, in_e[1] + ID_NODE,
        ni_e[0] + OD_NODE, ni_e[1] + ID_INST,
    ])

    n_pad0 = NUM_SUBCORES * NSTEP0 * KE - (E_SVC + E_IN)
    n_pad1 = NUM_SUBCORES * NSTEP1 * KE - E_NI
    src_c0 = jnp.concatenate([
        svc_e[0] + TBL_SVC, in_e[0] + TBL_INST,
        jnp.zeros((n_pad0,), jnp.int32)])
    dst_c0 = jnp.concatenate([
        svc_e[1] + AGG_SVC, in_e[1] + AGG_NODE,
        jnp.full((n_pad0,), JUNK_ROW, jnp.int32)])
    src_c1 = jnp.concatenate([
        ni_e[0] + TBL_NODE, jnp.zeros((n_pad1,), jnp.int32)])
    dst_c1 = jnp.concatenate([
        ni_e[1] + AGG_INST, jnp.full((n_pad1,), JUNK_ROW, jnp.int32)])
    pad_e = jnp.zeros((NUM_SUBCORES, (NSTEP0 - NSTEP1), KE), jnp.int32)

    def _slab(c0, c1):
        c0 = c0.reshape(NUM_SUBCORES, NSTEP0, KE)
        c1 = jnp.concatenate(
            [c1.reshape(NUM_SUBCORES, NSTEP1, KE), pad_e], axis=1)
        return jnp.stack([c0, c1])

    src_all = _slab(src_c0, src_c1)
    dst_all = _slab(dst_c0, dst_c1)

    big_x = jnp.concatenate([svc_feat, instance_feat, node_feat], axis=0)

    hist32 = _hist_call(hist_idx).reshape(NUM_TILES, NB // 128, 128)
    xs, rs2 = _scale_src_call(hist32, big_x)

    zeros_stripe = jnp.zeros((STRIPE, D), jnp.float32)
    aggp = _agg_call(src_all, dst_all, xs, zeros_stripe)

    return _finish_call(aggp, rs2, W_inst, b_inst, W_node, b_node,
                        W_svc, b_svc)

# --- scband reference (transcript-rebuilt; emitter-appended) ---
"""Pipeline reference for scband-aggr-hgraph-conv-layer-23089744183457 (READ-ONLY COPY).

The authoritative reference and input builder live on the scoring server;
editing this copy changes nothing except your own understanding.
"""

import jax, jax.numpy as jnp
import numpy as np

SVC_NUM = 1000
INSTANCE_NUM = 6000
NODE_NUM = 3000
D = 128
OUT = 128
E_SVC = 32000
E_IN = 192000
E_NI = 192000


def setup_inputs(seed: int = 0) -> dict:
    key = jax.random.key(seed)
    ks = jax.random.split(key, 12)
    svc_feat = jax.random.normal(ks[0], (SVC_NUM, D), dtype=jnp.float32)
    instance_feat = jax.random.normal(ks[1], (INSTANCE_NUM, D), dtype=jnp.float32)
    node_feat = jax.random.normal(ks[2], (NODE_NUM, D), dtype=jnp.float32)
    # edge_index[0] = src ids, edge_index[1] = dst ids
    svc_edge_index = jnp.stack([
        jax.random.randint(ks[3], (E_SVC,), 0, SVC_NUM),
        jax.random.randint(ks[4], (E_SVC,), 0, SVC_NUM),
    ]).astype(jnp.int64)
    instance_node_edge_index = jnp.stack([
        jax.random.randint(ks[5], (E_IN,), 0, INSTANCE_NUM),
        jax.random.randint(ks[6], (E_IN,), 0, NODE_NUM),
    ]).astype(jnp.int64)
    node_instance_edge_index = jnp.stack([
        jax.random.randint(ks[7], (E_NI,), 0, NODE_NUM),
        jax.random.randint(ks[8], (E_NI,), 0, INSTANCE_NUM),
    ]).astype(jnp.int64)
    # Learned params: one GraphConv (weight + bias) per edge type
    scale = 1.0 / np.sqrt(D)
    W_svc = jax.random.normal(ks[9], (D, OUT), dtype=jnp.float32) * scale
    W_inst = jax.random.normal(ks[10], (D, OUT), dtype=jnp.float32) * scale
    W_node = jax.random.normal(ks[11], (D, OUT), dtype=jnp.float32) * scale
    b_svc = jnp.zeros((OUT,), jnp.float32)
    b_inst = jnp.zeros((OUT,), jnp.float32)
    b_node = jnp.zeros((OUT,), jnp.float32)
    return {
        'svc_feat': svc_feat,
        'instance_feat': instance_feat,
        'node_feat': node_feat,
        'svc_edge_index': svc_edge_index,
        'instance_node_edge_index': instance_node_edge_index,
        'node_instance_edge_index': node_instance_edge_index,
        'W_svc': W_svc, 'b_svc': b_svc,
        'W_inst': W_inst, 'b_inst': b_inst,
        'W_node': W_node, 'b_node': b_node,
    }


def _graph_conv(x_src, edge_index, W, b, n_src, n_dst):
    # DGL GraphConv with norm='both': D_dst^{-1/2} A D_src^{-1/2} X W + b
    src = edge_index[0]
    dst = edge_index[1]
    out_deg = jnp.zeros((n_src,), jnp.float32).at[src].add(1.0)
    in_deg = jnp.zeros((n_dst,), jnp.float32).at[dst].add(1.0)
    out_deg = jnp.maximum(out_deg, 1.0)
    in_deg = jnp.maximum(in_deg, 1.0)
    h = x_src * (out_deg ** -0.5)[:, None]
    msg = jnp.take(h, src, axis=0)
    agg = jnp.zeros((n_dst, h.shape[1]), h.dtype).at[dst].add(msg)
    agg = agg * (in_deg ** -0.5)[:, None]
    return agg @ W + b


def reference(svc_feat, instance_feat, node_feat, svc_edge_index,
              instance_node_edge_index, node_instance_edge_index,
              W_svc, b_svc, W_inst, b_inst, W_node, b_node):
    # svc_call: svc -> svc, src feats = svc_feat
    svc_out = _graph_conv(svc_feat, svc_edge_index, W_svc, b_svc, SVC_NUM, SVC_NUM)
    # instance_node: instance -> node, src feats = instance_feat
    node_out = _graph_conv(instance_feat, instance_node_edge_index, W_inst, b_inst, INSTANCE_NUM, NODE_NUM)
    # node_instance: node -> instance, src feats = node_feat
    instance_out = _graph_conv(node_feat, node_instance_edge_index, W_node, b_node, NODE_NUM, INSTANCE_NUM)
    out = jnp.concatenate([node_out, instance_out, svc_out], axis=0)
    return jax.nn.leaky_relu(out, negative_slope=0.01)

if __name__ == "__main__":
    import jax
    _d = setup_inputs()
    print(jax.jit(kernel)(*tuple(_d.values())))

</pallas_src>

<mosaic_0001>
#map = affine_map<(d0, d1) -> (0, 0, 0)>
#map1 = affine_map<(d0, d1) -> (0, 0)>
module attributes {stable_mosaic.version = 14 : i64} {
  func.func @hist_kernel(%arg0: i32, %arg1: i32, %arg2: memref<32x204x128xi32, #tpu.memory_space<hbm>>, %arg3: memref<32x20480xf32, #tpu.memory_space<hbm>>, %arg4: memref<20480xf32, #tpu.memory_space<vmem>>, %arg5: memref<204x128xi32, #tpu.memory_space<vmem>>, %arg6: memref<!tpu.dma_semaphore, #tpu.memory_space<semaphore_mem>>) attributes {dimension_semantics = [#tpu.dimension_semantics<core_parallel>, #tpu.dimension_semantics<subcore_parallel>], iteration_bounds = array<i64: 2, 16>, scalar_prefetch = 0 : i64, scratch_operands = 3 : i64, tpu.core_type = #tpu.core_type<sc_vector_subcore>, window_params = [{transform_indices = #map}, {transform_indices = #map1}]} {
    %mul3A = arith.constant 16 : i32
    %mul3A_0 = arith.muli %arg0, %mul3A : i32
    %add3A = arith.addi %mul3A_0, %arg1 : i32
    %broadcast_in_dim3A = arith.constant 0.000000e+00 : f32
    %broadcast_in_dim3A_1 = vector.broadcast %broadcast_in_dim3A : f32 to vector<16xf32>
    %broadcast_in_dim3A_2 = arith.constant 1.000000e+00 : f32
    %broadcast_in_dim3A_3 = vector.broadcast %broadcast_in_dim3A_2 : f32 to vector<16xf32>
    %dma_start3A = arith.constant 0 : i32
    %dma_start3A_4 = arith.constant 0 : i32
    %dma_start3A_5 = tpu.memref_slice %arg2[%add3A, %dma_start3A, %dma_start3A_4] : memref<32x204x128xi32, #tpu.memory_space<hbm>> -> memref<1x204x128xi32, #tpu.memory_space<hbm>>
    %dma_start3A_6 = tpu.memref_squeeze %dma_start3A_5 : memref<1x204x128xi32, #tpu.memory_space<hbm>> -> memref<204x128xi32, #tpu.memory_space<hbm>>
    %dma_start3A_7 = arith.constant 0 : i32
    %dma_start3A_8 = arith.constant 0 : i32
    %dma_start3A_9 = tpu.memref_slice %arg2[%add3A, %dma_start3A_7, %dma_start3A_8] : memref<32x204x128xi32, #tpu.memory_space<hbm>> -> memref<1x204x128xi32, #tpu.memory_space<hbm>>
    %dma_start3A_10 = tpu.memref_squeeze %dma_start3A_9 : memref<1x204x128xi32, #tpu.memory_space<hbm>> -> memref<204x128xi32, #tpu.memory_space<hbm>>
    tpu.enqueue_dma source(%dma_start3A_10 : memref<204x128xi32, #tpu.memory_space<hbm>>) target(%arg5 : memref<204x128xi32, #tpu.memory_space<vmem>>) target_semaphore(%arg6 : memref<!tpu.dma_semaphore, #tpu.memory_space<semaphore_mem>>)
    %scan3A = arith.constant 0 : i32
    %scan3A_11 = arith.constant 1280 : i32
    %scan3A_12 = arith.addi %scan3A, %scan3A_11 : i32
    %scan3A_13 = arith.constant 1 : i32
    scf.for %scan3A_27 = %scan3A to %scan3A_12 step %scan3A_13  : i32 {
      %mul3A_28 = arith.constant 16 : i32
      %mul3A_29 = arith.muli %scan3A_27, %mul3A_28 : i32
      %add3A_30 = arith.constant 0 : i32
      %add3A_31 = arith.addi %add3A_30, %mul3A_29 : i32
      %swap3A = arith.index_cast %add3A_31 : i32 to index
      %swap3A_32 = tpu.vector_load %arg4[%swap3A] {strides = array<i32>} : memref<20480xf32, #tpu.memory_space<vmem>>, vector<16xf32>,
      tpu.vector_store %arg4[%swap3A], %broadcast_in_dim3A_1 {strides = array<i32>} : memref<20480xf32, #tpu.memory_space<vmem>>, vector<16xf32>,
    }
    %scan3A_14 = arith.constant 1280 : i32
    %dma_wait3A = arith.constant 0 : i32
    %dma_wait3A_15 = arith.constant 0 : i32
    %dma_wait3A_16 = tpu.memref_slice %arg2[%add3A, %dma_wait3A, %dma_wait3A_15] : memref<32x204x128xi32, #tpu.memory_space<hbm>> -> memref<1x204x128xi32, #tpu.memory_space<hbm>>
    %dma_wait3A_17 = tpu.memref_squeeze %dma_wait3A_16 : memref<1x204x128xi32, #tpu.memory_space<hbm>> -> memref<204x128xi32, #tpu.memory_space<hbm>>
    %dma_wait3A_18 = arith.constant 0 : i32
    %dma_wait3A_19 = arith.constant 0 : i32
    %dma_wait3A_20 = tpu.memref_slice %arg2[%add3A, %dma_wait3A_18, %dma_wait3A_19] : memref<32x204x128xi32, #tpu.memory_space<hbm>> -> memref<1x204x128xi32, #tpu.memory_space<hbm>>
    %dma_wait3A_21 = tpu.memref_squeeze %dma_wait3A_20 : memref<1x204x128xi32, #tpu.memory_space<hbm>> -> memref<204x128xi32, #tpu.memory_space<hbm>>
    tpu.wait_dma2 semaphore(%arg6 : memref<!tpu.dma_semaphore, #tpu.memory_space<semaphore_mem>>) src(%dma_wait3A_21 : memref<204x128xi32, #tpu.memory_space<hbm>>) dst(%arg5 : memref<204x128xi32, #tpu.memory_space<vmem>>)
    %scan3A_22 = arith.constant 0 : i32
    %scan3A_23 = arith.constant 204 : i32
    %scan3A_24 = arith.addi %scan3A_22, %scan3A_23 : i32
    %scan3A_25 = arith.constant 1 : i32
    scf.for %scan3A_27 = %scan3A_22 to %scan3A_24 step %scan3A_25  : i32 {
      %mul3A_28 = arith.constant 1 : i32
      %mul3A_29 = arith.muli %scan3A_27, %mul3A_28 : i32
      %add3A_30 = arith.constant 0 : i32
      %add3A_31 = arith.addi %add3A_30, %mul3A_29 : i32
      %scan3A_32 = arith.constant 0 : i32
      %scan3A_33 = arith.constant 8 : i32
      %scan3A_34 = arith.addi %scan3A_32, %scan3A_33 : i32
      %scan3A_35 = arith.constant 1 : i32
      scf.for %scan3A_37 = %scan3A_32 to %scan3A_34 step %scan3A_35  : i32 {
        %mul3A_38 = arith.constant 16 : i32
        %mul3A_39 = arith.muli %scan3A_37, %mul3A_38 : i32
        %add3A_40 = arith.constant 0 : i32
        %add3A_41 = arith.addi %add3A_40, %mul3A_39 : i32
        %get3A = arith.index_cast %add3A_31 : i32 to index
        %get3A_42 = arith.index_cast %add3A_41 : i32 to index
        %get3A_43 = tpu.vector_load %arg5[%get3A, %get3A_42] {strides = array<i32>} : memref<204x128xi32, #tpu.memory_space<vmem>>, vector<16xi32>,
        tpu.vector_store_idx %arg4[%get3A_43], %broadcast_in_dim3A_3 {add = true} : memref<20480xf32, #tpu.memory_space<vmem>>[vector<16xi32>], vector<16xf32>,
      }
      %scan3A_36 = arith.constant 8 : i32
    }
    %scan3A_26 = arith.constant 204 : i32
    "tpu.region"() ({
      %run_scoped3A = tpu.sem_alloc : memref<!tpu.dma_semaphore, #tpu.memory_space<semaphore_mem>>
      %dma_start3A_27 = arith.constant 0 : i32
      %dma_start3A_28 = tpu.memref_slice %arg3[%add3A, %dma_start3A_27] : memref<32x20480xf32, #tpu.memory_space<hbm>> -> memref<1x20480xf32, #tpu.memory_space<hbm>>
      %dma_start3A_29 = tpu.memref_squeeze %dma_start3A_28 : memref<1x20480xf32, #tpu.memory_space<hbm>> -> memref<20480xf32, #tpu.memory_space<hbm>>
      %dma_start3A_30 = arith.constant 0 : i32
      %dma_start3A_31 = tpu.memref_slice %arg3[%add3A, %dma_start3A_30] : memref<32x20480xf32, #tpu.memory_space<hbm>> -> memref<1x20480xf32, #tpu.memory_space<hbm>>
      %dma_start3A_32 = tpu.memref_squeeze %dma_start3A_31 : memref<1x20480xf32, #tpu.memory_space<hbm>> -> memref<20480xf32, #tpu.memory_space<hbm>>
      tpu.enqueue_dma source(%arg4 : memref<20480xf32, #tpu.memory_space<vmem>>) target(%dma_start3A_32 : memref<20480xf32, #tpu.memory_space<hbm>>) target_semaphore(%run_scoped3A : memref<!tpu.dma_semaphore, #tpu.memory_space<semaphore_mem>>)
      %dma_wait3A_33 = arith.constant 0 : i32
      %dma_wait3A_34 = tpu.memref_slice %arg3[%add3A, %dma_wait3A_33] : memref<32x20480xf32, #tpu.memory_space<hbm>> -> memref<1x20480xf32, #tpu.memory_space<hbm>>
      %dma_wait3A_35 = tpu.memref_squeeze %dma_wait3A_34 : memref<1x20480xf32, #tpu.memory_space<hbm>> -> memref<20480xf32, #tpu.memory_space<hbm>>
      %dma_wait3A_36 = arith.constant 0 : i32
      %dma_wait3A_37 = tpu.memref_slice %arg3[%add3A, %dma_wait3A_36] : memref<32x20480xf32, #tpu.memory_space<hbm>> -> memref<1x20480xf32, #tpu.memory_space<hbm>>
      %dma_wait3A_38 = tpu.memref_squeeze %dma_wait3A_37 : memref<1x20480xf32, #tpu.memory_space<hbm>> -> memref<20480xf32, #tpu.memory_space<hbm>>
      tpu.wait_dma2 semaphore(%run_scoped3A : memref<!tpu.dma_semaphore, #tpu.memory_space<semaphore_mem>>) src(%arg4 : memref<20480xf32, #tpu.memory_space<vmem>>) dst(%dma_wait3A_38 : memref<20480xf32, #tpu.memory_space<hbm>>)
      tpu.yield
    }) : () -> ()
    return
  }
}

#map = affine_map<(d0, d1) -> (0, 0, 0, 0)>
#map1 = affine_map<(d0, d1) -> (0, 0)>
#map2 = affine_map<(d0, d1) -> (0, 0, 0)>
module attributes {stable_mosaic.version = 14 : i64} {
  func.func @agg_kernel(%arg0: i32, %arg1: i32, %arg2: memref<2x16x110x128xi32, #tpu.memory_space<hbm>>, %arg3: memref<2x16x110x128xi32, #tpu.memory_space<hbm>>, %arg4: memref<10000x128xf32, #tpu.memory_space<hbm>>, %arg5: memref<376x128xf32, #tpu.memory_space<hbm>>, %arg6: memref<2x6016x128xf32, #tpu.memory_space<hbm>>, %arg7: memref<128x128xf32, #tpu.memory_space<vmem>>, %arg8: memref<128x128xf32, #tpu.memory_space<vmem>>, %arg9: memref<128x128xf32, #tpu.memory_space<vmem>>, %arg10: memref<110x128xi32, #tpu.memory_space<vmem>>, %arg11: memref<110x128xi32, #tpu.memory_space<vmem>>, %arg12: memref<6016x128xf32, #tpu.memory_space<vmem_shared>>, %arg13: memref<!tpu.dma_semaphore, #tpu.memory_space<semaphore_mem>>, %arg14: memref<!tpu.dma_semaphore, #tpu.memory_space<semaphore_mem>>, %arg15: memref<!tpu.dma_semaphore, #tpu.memory_space<semaphore_mem>>, %arg16: memref<!tpu.dma_semaphore, #tpu.memory_space<semaphore_mem>>) attributes {dimension_semantics = [#tpu.dimension_semantics<core_parallel>, #tpu.dimension_semantics<subcore_parallel>], iteration_bounds = array<i64: 2, 16>, scalar_prefetch = 0 : i64, scratch_operands = 10 : i64, tpu.core_type = #tpu.core_type<sc_vector_subcore>, window_params = [{transform_indices = #map}, {transform_indices = #map}, {transform_indices = #map1}, {transform_indices = #map1}, {transform_indices = #map2}]} {
    %eq3A = arith.constant 0 : i32
    %eq3A_0 = arith.cmpi eq, %arg0, %eq3A : i32
    %jit3A = arith.constant 110 : i32
    %jit3A_1 = arith.constant 94 : i32
    %select_n3A = arith.select %eq3A_0, %jit3A, %jit3A_1 : i32
    %dma_start3A = arith.constant 0 : i32
    %dma_start3A_2 = arith.constant 0 : i32
    %dma_start3A_3 = tpu.memref_slice %arg2[%arg0, %arg1, %dma_start3A, %dma_start3A_2] : memref<2x16x110x128xi32, #tpu.memory_space<hbm>> -> memref<1x1x110x128xi32, #tpu.memory_space<hbm>>
    %dma_start3A_4 = tpu.memref_squeeze %dma_start3A_3 : memref<1x1x110x128xi32, #tpu.memory_space<hbm>> -> memref<110x128xi32, #tpu.memory_space<hbm>>
    %dma_start3A_5 = arith.constant 0 : i32
    %dma_start3A_6 = arith.constant 0 : i32
    %dma_start3A_7 = tpu.memref_slice %arg2[%arg0, %arg1, %dma_start3A_5, %dma_start3A_6] : memref<2x16x110x128xi32, #tpu.memory_space<hbm>> -> memref<1x1x110x128xi32, #tpu.memory_space<hbm>>
    %dma_start3A_8 = tpu.memref_squeeze %dma_start3A_7 : memref<1x1x110x128xi32, #tpu.memory_space<hbm>> -> memref<110x128xi32, #tpu.memory_space<hbm>>
    tpu.enqueue_dma source(%dma_start3A_8 : memref<110x128xi32, #tpu.memory_space<hbm>>) target(%arg10 : memref<110x128xi32, #tpu.memory_space<vmem>>) target_semaphore(%arg16 : memref<!tpu.dma_semaphore, #tpu.memory_space<semaphore_mem>>)
    %mul3A = arith.constant 376 : i32
    %mul3A_9 = arith.muli %arg1, %mul3A : i32
    "tpu.region"() ({
      %run_scoped3A = tpu.sem_alloc : memref<!tpu.dma_semaphore, #tpu.memory_space<semaphore_mem>>
      %dma_start3A_63 = arith.constant 0 : i32
      %dma_start3A_64 = tpu.memref_slice %arg12[%mul3A_9, %dma_start3A_63] : memref<6016x128xf32, #tpu.memory_space<vmem_shared>> -> memref<376x128xf32, #tpu.memory_space<vmem_shared>>
      tpu.enqueue_dma source(%arg5 : memref<376x128xf32, #tpu.memory_space<hbm>>) target(%dma_start3A_64 : memref<376x128xf32, #tpu.memory_space<vmem_shared>>) target_semaphore(%run_scoped3A : memref<!tpu.dma_semaphore, #tpu.memory_space<semaphore_mem>>)
      %dma_wait3A_65 = arith.constant 0 : i32
      %dma_wait3A_66 = tpu.memref_slice %arg12[%mul3A_9, %dma_wait3A_65] : memref<6016x128xf32, #tpu.memory_space<vmem_shared>> -> memref<376x128xf32, #tpu.memory_space<vmem_shared>>
      tpu.wait_dma2 semaphore(%run_scoped3A : memref<!tpu.dma_semaphore, #tpu.memory_space<semaphore_mem>>) src(%arg5 : memref<376x128xf32, #tpu.memory_space<hbm>>) dst(%dma_wait3A_66 : memref<376x128xf32, #tpu.memory_space<vmem_shared>>)
      tpu.yield
    }) : () -> ()
    %dma_start3A_10 = arith.constant 0 : i32
    %dma_start3A_11 = arith.constant 0 : i32
    %dma_start3A_12 = tpu.memref_slice %arg3[%arg0, %arg1, %dma_start3A_10, %dma_start3A_11] : memref<2x16x110x128xi32, #tpu.memory_space<hbm>> -> memref<1x1x110x128xi32, #tpu.memory_space<hbm>>
    %dma_start3A_13 = tpu.memref_squeeze %dma_start3A_12 : memref<1x1x110x128xi32, #tpu.memory_space<hbm>> -> memref<110x128xi32, #tpu.memory_space<hbm>>
    %dma_start3A_14 = arith.constant 0 : i32
    %dma_start3A_15 = arith.constant 0 : i32
    %dma_start3A_16 = tpu.memref_slice %arg3[%arg0, %arg1, %dma_start3A_14, %dma_start3A_15] : memref<2x16x110x128xi32, #tpu.memory_space<hbm>> -> memref<1x1x110x128xi32, #tpu.memory_space<hbm>>
    %dma_start3A_17 = tpu.memref_squeeze %dma_start3A_16 : memref<1x1x110x128xi32, #tpu.memory_space<hbm>> -> memref<110x128xi32, #tpu.memory_space<hbm>>
    tpu.enqueue_dma source(%dma_start3A_17 : memref<110x128xi32, #tpu.memory_space<hbm>>) target(%arg11 : memref<110x128xi32, #tpu.memory_space<vmem>>) target_semaphore(%arg16 : memref<!tpu.dma_semaphore, #tpu.memory_space<semaphore_mem>>)
    %dma_wait3A = arith.constant 0 : i32
    %dma_wait3A_18 = arith.constant 0 : i32
    %dma_wait3A_19 = tpu.memref_slice %arg2[%arg0, %arg1, %dma_wait3A, %dma_wait3A_18] : memref<2x16x110x128xi32, #tpu.memory_space<hbm>> -> memref<1x1x110x128xi32, #tpu.memory_space<hbm>>
    %dma_wait3A_20 = tpu.memref_squeeze %dma_wait3A_19 : memref<1x1x110x128xi32, #tpu.memory_space<hbm>> -> memref<110x128xi32, #tpu.memory_space<hbm>>
    %dma_wait3A_21 = arith.constant 0 : i32
    %dma_wait3A_22 = arith.constant 0 : i32
    %dma_wait3A_23 = tpu.memref_slice %arg2[%arg0, %arg1, %dma_wait3A_21, %dma_wait3A_22] : memref<2x16x110x128xi32, #tpu.memory_space<hbm>> -> memref<1x1x110x128xi32, #tpu.memory_space<hbm>>
    %dma_wait3A_24 = tpu.memref_squeeze %dma_wait3A_23 : memref<1x1x110x128xi32, #tpu.memory_space<hbm>> -> memref<110x128xi32, #tpu.memory_space<hbm>>
    tpu.wait_dma2 semaphore(%arg16 : memref<!tpu.dma_semaphore, #tpu.memory_space<semaphore_mem>>) src(%dma_wait3A_24 : memref<110x128xi32, #tpu.memory_space<hbm>>) dst(%arg10 : memref<110x128xi32, #tpu.memory_space<vmem>>)
    %dma_wait3A_25 = arith.constant 0 : i32
    %dma_wait3A_26 = arith.constant 0 : i32
    %dma_wait3A_27 = tpu.memref_slice %arg3[%arg0, %arg1, %dma_wait3A_25, %dma_wait3A_26] : memref<2x16x110x128xi32, #tpu.memory_space<hbm>> -> memref<1x1x110x128xi32, #tpu.memory_space<hbm>>
    %dma_wait3A_28 = tpu.memref_squeeze %dma_wait3A_27 : memref<1x1x110x128xi32, #tpu.memory_space<hbm>> -> memref<110x128xi32, #tpu.memory_space<hbm>>
    %dma_wait3A_29 = arith.constant 0 : i32
    %dma_wait3A_30 = arith.constant 0 : i32
    %dma_wait3A_31 = tpu.memref_slice %arg3[%arg0, %arg1, %dma_wait3A_29, %dma_wait3A_30] : memref<2x16x110x128xi32, #tpu.memory_space<hbm>> -> memref<1x1x110x128xi32, #tpu.memory_space<hbm>>
    %dma_wait3A_32 = tpu.memref_squeeze %dma_wait3A_31 : memref<1x1x110x128xi32, #tpu.memory_space<hbm>> -> memref<110x128xi32, #tpu.memory_space<hbm>>
    tpu.wait_dma2 semaphore(%arg16 : memref<!tpu.dma_semaphore, #tpu.memory_space<semaphore_mem>>) src(%dma_wait3A_32 : memref<110x128xi32, #tpu.memory_space<hbm>>) dst(%arg11 : memref<110x128xi32, #tpu.memory_space<vmem>>)
    %barrier3A = arith.constant 0 : index
    tpu.barrier barrier_id(%barrier3A)
    %dma_start3A_33 = arith.constant 0 : i32
    %dma_start3A_34 = arith.constant 0 : i32
    %dma_start3A_35 = tpu.memref_slice %arg10[%dma_start3A_33, %dma_start3A_34] : memref<110x128xi32, #tpu.memory_space<vmem>> -> memref<1x128xi32, #tpu.memory_space<vmem>>
    %dma_start3A_36 = tpu.memref_squeeze %dma_start3A_35 : memref<1x128xi32, #tpu.memory_space<vmem>> -> memref<128xi32, #tpu.memory_space<vmem>>
    %dma_start3A_37 = arith.constant 0 : i32
    %dma_start3A_38 = arith.constant 0 : i32
    %dma_start3A_39 = tpu.memref_slice %arg4[%dma_start3A_37, %dma_start3A_38] : memref<10000x128xf32, #tpu.memory_space<hbm>> -> memref<10000x128xf32, #tpu.memory_space<hbm>>
    tpu.enqueue_indirect_dma source(%dma_start3A_39 : memref<10000x128xf32, #tpu.memory_space<hbm>>) target(%arg7 : memref<128x128xf32, #tpu.memory_space<vmem>>) offsets(%dma_start3A_36 : memref<128xi32, #tpu.memory_space<vmem>>) semaphore(%arg13 : memref<!tpu.dma_semaphore, #tpu.memory_space<semaphore_mem>>)
    %dma_start3A_40 = arith.constant 1 : i32
    %dma_start3A_41 = arith.constant 0 : i32
    %dma_start3A_42 = tpu.memref_slice %arg10[%dma_start3A_40, %dma_start3A_41] : memref<110x128xi32, #tpu.memory_space<vmem>> -> memref<1x128xi32, #tpu.memory_space<vmem>>
    %dma_start3A_43 = tpu.memref_squeeze %dma_start3A_42 : memref<1x128xi32, #tpu.memory_space<vmem>> -> memref<128xi32, #tpu.memory_space<vmem>>
    %dma_start3A_44 = arith.constant 0 : i32
    %dma_start3A_45 = arith.constant 0 : i32
    %dma_start3A_46 = tpu.memref_slice %arg4[%dma_start3A_44, %dma_start3A_45] : memref<10000x128xf32, #tpu.memory_space<hbm>> -> memref<10000x128xf32, #tpu.memory_space<hbm>>
    tpu.enqueue_indirect_dma source(%dma_start3A_46 : memref<10000x128xf32, #tpu.memory_space<hbm>>) target(%arg8 : memref<128x128xf32, #tpu.memory_space<vmem>>) offsets(%dma_start3A_43 : memref<128xi32, #tpu.memory_space<vmem>>) semaphore(%arg14 : memref<!tpu.dma_semaphore, #tpu.memory_space<semaphore_mem>>)
    %dma_start3A_47 = arith.constant 2 : i32
    %dma_start3A_48 = arith.constant 0 : i32
    %dma_start3A_49 = tpu.memref_slice %arg10[%dma_start3A_47, %dma_start3A_48] : memref<110x128xi32, #tpu.memory_space<vmem>> -> memref<1x128xi32, #tpu.memory_space<vmem>>
    %dma_start3A_50 = tpu.memref_squeeze %dma_start3A_49 : memref<1x128xi32, #tpu.memory_space<vmem>> -> memref<128xi32, #tpu.memory_space<vmem>>
    %dma_start3A_51 = arith.constant 0 : i32
    %dma_start3A_52 = arith.constant 0 : i32
    %dma_start3A_53 = tpu.memref_slice %arg4[%dma_start3A_51, %dma_start3A_52] : memref<10000x128xf32, #tpu.memory_space<hbm>> -> memref<10000x128xf32, #tpu.memory_space<hbm>>
    tpu.enqueue_indirect_dma source(%dma_start3A_53 : memref<10000x128xf32, #tpu.memory_space<hbm>>) target(%arg9 : memref<128x128xf32, #tpu.memory_space<vmem>>) offsets(%dma_start3A_50 : memref<128xi32, #tpu.memory_space<vmem>>) semaphore(%arg15 : memref<!tpu.dma_semaphore, #tpu.memory_space<semaphore_mem>>)
    %scan3A = arith.constant 0 : i32
    %scan3A_54 = arith.constant 37 : i32
    %scan3A_55 = arith.addi %scan3A, %scan3A_54 : i32
    %scan3A_56 = arith.constant 1 : i32
    scf.for %scan3A_63 = %scan3A to %scan3A_55 step %scan3A_56  : i32 {
      %mul3A_64 = arith.constant 3 : i32
      %mul3A_65 = arith.muli %scan3A_63, %mul3A_64 : i32
      %add3A = arith.constant 0 : i32
      %add3A_66 = arith.addi %add3A, %mul3A_65 : i32
      %add3A_67 = arith.constant 0 : i32
      %add3A_68 = arith.addi %add3A_66, %add3A_67 : i32
      %lt3A = arith.cmpi slt, %add3A_68, %select_n3A : i32
      %convert_element_type3A = arith.extui %lt3A : i1 to i32
      %cond3A = arith.constant 0 : i32
      %cond3A_69 = arith.cmpi ne, %convert_element_type3A, %cond3A : i32
      scf.if %cond3A_69 {
        %dma_wait3A_82 = arith.constant 0 : i32
        %dma_wait3A_83 = tpu.memref_slice %arg10[%add3A_68, %dma_wait3A_82] : memref<110x128xi32, #tpu.memory_space<vmem>> -> memref<1x128xi32, #tpu.memory_space<vmem>>
        %dma_wait3A_84 = tpu.memref_squeeze %dma_wait3A_83 : memref<1x128xi32, #tpu.memory_space<vmem>> -> memref<128xi32, #tpu.memory_space<vmem>>
        %dma_wait3A_85 = arith.constant 0 : i32
        %dma_wait3A_86 = arith.constant 0 : i32
        %dma_wait3A_87 = tpu.memref_slice %arg4[%dma_wait3A_85, %dma_wait3A_86] : memref<10000x128xf32, #tpu.memory_space<hbm>> -> memref<10000x128xf32, #tpu.memory_space<hbm>>
        tpu.wait_indirect_dma semaphore(%arg13 : memref<!tpu.dma_semaphore, #tpu.memory_space<semaphore_mem>>) src(%dma_wait3A_87 : memref<10000x128xf32, #tpu.memory_space<hbm>>) dst(%arg7 : memref<128x128xf32, #tpu.memory_space<vmem>>)
        "tpu.region"() ({
          %run_scoped3A = tpu.sem_alloc : memref<!tpu.dma_semaphore, #tpu.memory_space<semaphore_mem>>
          %dma_start3A_94 = arith.constant 0 : i32
          %dma_start3A_95 = tpu.memref_slice %arg11[%add3A_68, %dma_start3A_94] : memref<110x128xi32, #tpu.memory_space<vmem>> -> memref<1x128xi32, #tpu.memory_space<vmem>>
          %dma_start3A_96 = tpu.memref_squeeze %dma_start3A_95 : memref<1x128xi32, #tpu.memory_space<vmem>> -> memref<128xi32, #tpu.memory_space<vmem>>
          %dma_start3A_97 = arith.constant 0 : i32
          %dma_start3A_98 = arith.constant 0 : i32
          %dma_start3A_99 = tpu.memref_slice %arg12[%dma_start3A_97, %dma_start3A_98] : memref<6016x128xf32, #tpu.memory_space<vmem_shared>> -> memref<6016x128xf32, #tpu.memory_space<vmem_shared>>
          tpu.enqueue_indirect_dma source(%arg7 : memref<128x128xf32, #tpu.memory_space<vmem>>) target(%dma_start3A_99 : memref<6016x128xf32, #tpu.memory_space<vmem_shared>>) offsets(%dma_start3A_96 : memref<128xi32, #tpu.memory_space<vmem>>) semaphore(%run_scoped3A : memref<!tpu.dma_semaphore, #tpu.memory_space<semaphore_mem>>) {add = true}
          %dma_wait3A_100 = arith.constant 0 : i32
          %dma_wait3A_101 = tpu.memref_slice %arg11[%add3A_68, %dma_wait3A_100] : memref<110x128xi32, #tpu.memory_space<vmem>> -> memref<1x128xi32, #tpu.memory_space<vmem>>
          %dma_wait3A_102 = tpu.memref_squeeze %dma_wait3A_101 : memref<1x128xi32, #tpu.memory_space<vmem>> -> memref<128xi32, #tpu.memory_space<vmem>>
          %dma_wait3A_103 = arith.constant 0 : i32
          %dma_wait3A_104 = arith.constant 0 : i32
          %dma_wait3A_105 = tpu.memref_slice %arg12[%dma_wait3A_103, %dma_wait3A_104] : memref<6016x128xf32, #tpu.memory_space<vmem_shared>> -> memref<6016x128xf32, #tpu.memory_space<vmem_shared>>
          tpu.wait_indirect_dma semaphore(%run_scoped3A : memref<!tpu.dma_semaphore, #tpu.memory_space<semaphore_mem>>) src(%arg7 : memref<128x128xf32, #tpu.memory_space<vmem>>) dst(%dma_wait3A_105 : memref<6016x128xf32, #tpu.memory_space<vmem_shared>>)
          tpu.yield
        }) : () -> ()
        %add3A_88 = arith.constant 3 : i32
        %add3A_89 = arith.addi %add3A_68, %add3A_88 : i32
        %lt3A_90 = arith.cmpi slt, %add3A_89, %select_n3A : i32
        %convert_element_type3A_91 = arith.extui %lt3A_90 : i1 to i32
        %cond3A_92 = arith.constant 0 : i32
        %cond3A_93 = arith.cmpi ne, %convert_element_type3A_91, %cond3A_92 : i32
        scf.if %cond3A_93 {
          %add3A_94 = arith.constant 3 : i32
          %add3A_95 = arith.addi %add3A_68, %add3A_94 : i32
          %dma_start3A_96 = arith.constant 0 : i32
          %dma_start3A_97 = tpu.memref_slice %arg10[%add3A_95, %dma_start3A_96] : memref<110x128xi32, #tpu.memory_space<vmem>> -> memref<1x128xi32, #tpu.memory_space<vmem>>
          %dma_start3A_98 = tpu.memref_squeeze %dma_start3A_97 : memref<1x128xi32, #tpu.memory_space<vmem>> -> memref<128xi32, #tpu.memory_space<vmem>>
          %dma_start3A_99 = arith.constant 0 : i32
          %dma_start3A_100 = arith.constant 0 : i32
          %dma_start3A_101 = tpu.memref_slice %arg4[%dma_start3A_99, %dma_start3A_100] : memref<10000x128xf32, #tpu.memory_space<hbm>> -> memref<10000x128xf32, #tpu.memory_space<hbm>>
          tpu.enqueue_indirect_dma source(%dma_start3A_101 : memref<10000x128xf32, #tpu.memory_space<hbm>>) target(%arg7 : memref<128x128xf32, #tpu.memory_space<vmem>>) offsets(%dma_start3A_98 : memref<128xi32, #tpu.memory_space<vmem>>) semaphore(%arg13 : memref<!tpu.dma_semaphore, #tpu.memory_space<semaphore_mem>>)
        } else {
        }
      } else {
      }
      %add3A_70 = arith.constant 1 : i32
      %add3A_71 = arith.addi %add3A_66, %add3A_70 : i32
      %lt3A_72 = arith.cmpi slt, %add3A_71, %select_n3A : i32
      %convert_element_type3A_73 = arith.extui %lt3A_72 : i1 to i32
      %cond3A_74 = arith.constant 0 : i32
      %cond3A_75 = arith.cmpi ne, %convert_element_type3A_73, %cond3A_74 : i32
      scf.if %cond3A_75 {
        %dma_wait3A_82 = arith.constant 0 : i32
        %dma_wait3A_83 = tpu.memref_slice %arg10[%add3A_71, %dma_wait3A_82] : memref<110x128xi32, #tpu.memory_space<vmem>> -> memref<1x128xi32, #tpu.memory_space<vmem>>
        %dma_wait3A_84 = tpu.memref_squeeze %dma_wait3A_83 : memref<1x128xi32, #tpu.memory_space<vmem>> -> memref<128xi32, #tpu.memory_space<vmem>>
        %dma_wait3A_85 = arith.constant 0 : i32
        %dma_wait3A_86 = arith.constant 0 : i32
        %dma_wait3A_87 = tpu.memref_slice %arg4[%dma_wait3A_85, %dma_wait3A_86] : memref<10000x128xf32, #tpu.memory_space<hbm>> -> memref<10000x128xf32, #tpu.memory_space<hbm>>
        tpu.wait_indirect_dma semaphore(%arg14 : memref<!tpu.dma_semaphore, #tpu.memory_space<semaphore_mem>>) src(%dma_wait3A_87 : memref<10000x128xf32, #tpu.memory_space<hbm>>) dst(%arg8 : memref<128x128xf32, #tpu.memory_space<vmem>>)
        "tpu.region"() ({
          %run_scoped3A = tpu.sem_alloc : memref<!tpu.dma_semaphore, #tpu.memory_space<semaphore_mem>>
          %dma_start3A_94 = arith.constant 0 : i32
          %dma_start3A_95 = tpu.memref_slice %arg11[%add3A_71, %dma_start3A_94] : memref<110x128xi32, #tpu.memory_space<vmem>> -> memref<1x128xi32, #tpu.memory_space<vmem>>
          %dma_start3A_96 = tpu.memref_squeeze %dma_start3A_95 : memref<1x128xi32, #tpu.memory_space<vmem>> -> memref<128xi32, #tpu.memory_space<vmem>>
          %dma_start3A_97 = arith.constant 0 : i32
          %dma_start3A_98 = arith.constant 0 : i32
          %dma_start3A_99 = tpu.memref_slice %arg12[%dma_start3A_97, %dma_start3A_98] : memref<6016x128xf32, #tpu.memory_space<vmem_shared>> -> memref<6016x128xf32, #tpu.memory_space<vmem_shared>>
          tpu.enqueue_indirect_dma source(%arg8 : memref<128x128xf32, #tpu.memory_space<vmem>>) target(%dma_start3A_99 : memref<6016x128xf32, #tpu.memory_space<vmem_shared>>) offsets(%dma_start3A_96 : memref<128xi32, #tpu.memory_space<vmem>>) semaphore(%run_scoped3A : memref<!tpu.dma_semaphore, #tpu.memory_space<semaphore_mem>>) {add = true}
          %dma_wait3A_100 = arith.constant 0 : i32
          %dma_wait3A_101 = tpu.memref_slice %arg11[%add3A_71, %dma_wait3A_100] : memref<110x128xi32, #tpu.memory_space<vmem>> -> memref<1x128xi32, #tpu.memory_space<vmem>>
          %dma_wait3A_102 = tpu.memref_squeeze %dma_wait3A_101 : memref<1x128xi32, #tpu.memory_space<vmem>> -> memref<128xi32, #tpu.memory_space<vmem>>
          %dma_wait3A_103 = arith.constant 0 : i32
          %dma_wait3A_104 = arith.constant 0 : i32
          %dma_wait3A_105 = tpu.memref_slice %arg12[%dma_wait3A_103, %dma_wait3A_104] : memref<6016x128xf32, #tpu.memory_space<vmem_shared>> -> memref<6016x128xf32, #tpu.memory_space<vmem_shared>>
          tpu.wait_indirect_dma semaphore(%run_scoped3A : memref<!tpu.dma_semaphore, #tpu.memory_space<semaphore_mem>>) src(%arg8 : memref<128x128xf32, #tpu.memory_space<vmem>>) dst(%dma_wait3A_105 : memref<6016x128xf32, #tpu.memory_space<vmem_shared>>)
          tpu.yield
        }) : () -> ()
        %add3A_88 = arith.constant 3 : i32
        %add3A_89 = arith.addi %add3A_71, %add3A_88 : i32
        %lt3A_90 = arith.cmpi slt, %add3A_89, %select_n3A : i32
        %convert_element_type3A_91 = arith.extui %lt3A_90 : i1 to i32
        %cond3A_92 = arith.constant 0 : i32
        %cond3A_93 = arith.cmpi ne, %convert_element_type3A_91, %cond3A_92 : i32
        scf.if %cond3A_93 {
          %add3A_94 = arith.constant 3 : i32
          %add3A_95 = arith.addi %add3A_71, %add3A_94 : i32
          %dma_start3A_96 = arith.constant 0 : i32
          %dma_start3A_97 = tpu.memref_slice %arg10[%add3A_95, %dma_start3A_96] : memref<110x128xi32, #tpu.memory_space<vmem>> -> memref<1x128xi32, #tpu.memory_space<vmem>>
          %dma_start3A_98 = tpu.memref_squeeze %dma_start3A_97 : memref<1x128xi32, #tpu.memory_space<vmem>> -> memref<128xi32, #tpu.memory_space<vmem>>
          %dma_start3A_99 = arith.constant 0 : i32
          %dma_start3A_100 = arith.constant 0 : i32
          %dma_start3A_101 = tpu.memref_slice %arg4[%dma_start3A_99, %dma_start3A_100] : memref<10000x128xf32, #tpu.memory_space<hbm>> -> memref<10000x128xf32, #tpu.memory_space<hbm>>
          tpu.enqueue_indirect_dma source(%dma_start3A_101 : memref<10000x128xf32, #tpu.memory_space<hbm>>) target(%arg8 : memref<128x128xf32, #tpu.memory_space<vmem>>) offsets(%dma_start3A_98 : memref<128xi32, #tpu.memory_space<vmem>>) semaphore(%arg14 : memref<!tpu.dma_semaphore, #tpu.memory_space<semaphore_mem>>)
        } else {
        }
      } else {
      }
      %add3A_76 = arith.constant 2 : i32
      %add3A_77 = arith.addi %add3A_66, %add3A_76 : i32
      %lt3A_78 = arith.cmpi slt, %add3A_77, %select_n3A : i32
      %convert_element_type3A_79 = arith.extui %lt3A_78 : i1 to i32
      %cond3A_80 = arith.constant 0 : i32
      %cond3A_81 = arith.cmpi ne, %convert_element_type3A_79, %cond3A_80 : i32
      scf.if %cond3A_81 {
        %dma_wait3A_82 = arith.constant 0 : i32
        %dma_wait3A_83 = tpu.memref_slice %arg10[%add3A_77, %dma_wait3A_82] : memref<110x128xi32, #tpu.memory_space<vmem>> -> memref<1x128xi32, #tpu.memory_space<vmem>>
        %dma_wait3A_84 = tpu.memref_squeeze %dma_wait3A_83 : memref<1x128xi32, #tpu.memory_space<vmem>> -> memref<128xi32, #tpu.memory_space<vmem>>
        %dma_wait3A_85 = arith.constant 0 : i32
        %dma_wait3A_86 = arith.constant 0 : i32
        %dma_wait3A_87 = tpu.memref_slice %arg4[%dma_wait3A_85, %dma_wait3A_86] : memref<10000x128xf32, #tpu.memory_space<hbm>> -> memref<10000x128xf32, #tpu.memory_space<hbm>>
        tpu.wait_indirect_dma semaphore(%arg15 : memref<!tpu.dma_semaphore, #tpu.memory_space<semaphore_mem>>) src(%dma_wait3A_87 : memref<10000x128xf32, #tpu.memory_space<hbm>>) dst(%arg9 : memref<128x128xf32, #tpu.memory_space<vmem>>)
        "tpu.region"() ({
          %run_scoped3A = tpu.sem_alloc : memref<!tpu.dma_semaphore, #tpu.memory_space<semaphore_mem>>
          %dma_start3A_94 = arith.constant 0 : i32
          %dma_start3A_95 = tpu.memref_slice %arg11[%add3A_77, %dma_start3A_94] : memref<110x128xi32, #tpu.memory_space<vmem>> -> memref<1x128xi32, #tpu.memory_space<vmem>>
          %dma_start3A_96 = tpu.memref_squeeze %dma_start3A_95 : memref<1x128xi32, #tpu.memory_space<vmem>> -> memref<128xi32, #tpu.memory_space<vmem>>
          %dma_start3A_97 = arith.constant 0 : i32
          %dma_start3A_98 = arith.constant 0 : i32
          %dma_start3A_99 = tpu.memref_slice %arg12[%dma_start3A_97, %dma_start3A_98] : memref<6016x128xf32, #tpu.memory_space<vmem_shared>> -> memref<6016x128xf32, #tpu.memory_space<vmem_shared>>
          tpu.enqueue_indirect_dma source(%arg9 : memref<128x128xf32, #tpu.memory_space<vmem>>) target(%dma_start3A_99 : memref<6016x128xf32, #tpu.memory_space<vmem_shared>>) offsets(%dma_start3A_96 : memref<128xi32, #tpu.memory_space<vmem>>) semaphore(%run_scoped3A : memref<!tpu.dma_semaphore, #tpu.memory_space<semaphore_mem>>) {add = true}
          %dma_wait3A_100 = arith.constant 0 : i32
          %dma_wait3A_101 = tpu.memref_slice %arg11[%add3A_77, %dma_wait3A_100] : memref<110x128xi32, #tpu.memory_space<vmem>> -> memref<1x128xi32, #tpu.memory_space<vmem>>
          %dma_wait3A_102 = tpu.memref_squeeze %dma_wait3A_101 : memref<1x128xi32, #tpu.memory_space<vmem>> -> memref<128xi32, #tpu.memory_space<vmem>>
          %dma_wait3A_103 = arith.constant 0 : i32
          %dma_wait3A_104 = arith.constant 0 : i32
          %dma_wait3A_105 = tpu.memref_slice %arg12[%dma_wait3A_103, %dma_wait3A_104] : memref<6016x128xf32, #tpu.memory_space<vmem_shared>> -> memref<6016x128xf32, #tpu.memory_space<vmem_shared>>
          tpu.wait_indirect_dma semaphore(%run_scoped3A : memref<!tpu.dma_semaphore, #tpu.memory_space<semaphore_mem>>) src(%arg9 : memref<128x128xf32, #tpu.memory_space<vmem>>) dst(%dma_wait3A_105 : memref<6016x128xf32, #tpu.memory_space<vmem_shared>>)
          tpu.yield
        }) : () -> ()
        %add3A_88 = arith.constant 3 : i32
        %add3A_89 = arith.addi %add3A_77, %add3A_88 : i32
        %lt3A_90 = arith.cmpi slt, %add3A_89, %select_n3A : i32
        %convert_element_type3A_91 = arith.extui %lt3A_90 : i1 to i32
        %cond3A_92 = arith.constant 0 : i32
        %cond3A_93 = arith.cmpi ne, %convert_element_type3A_91, %cond3A_92 : i32
        scf.if %cond3A_93 {
          %add3A_94 = arith.constant 3 : i32
          %add3A_95 = arith.addi %add3A_77, %add3A_94 : i32
          %dma_start3A_96 = arith.constant 0 : i32
          %dma_start3A_97 = tpu.memref_slice %arg10[%add3A_95, %dma_start3A_96] : memref<110x128xi32, #tpu.memory_space<vmem>> -> memref<1x128xi32, #tpu.memory_space<vmem>>
          %dma_start3A_98 = tpu.memref_squeeze %dma_start3A_97 : memref<1x128xi32, #tpu.memory_space<vmem>> -> memref<128xi32, #tpu.memory_space<vmem>>
          %dma_start3A_99 = arith.constant 0 : i32
          %dma_start3A_100 = arith.constant 0 : i32
          %dma_start3A_101 = tpu.memref_slice %arg4[%dma_start3A_99, %dma_start3A_100] : memref<10000x128xf32, #tpu.memory_space<hbm>> -> memref<10000x128xf32, #tpu.memory_space<hbm>>
          tpu.enqueue_indirect_dma source(%dma_start3A_101 : memref<10000x128xf32, #tpu.memory_space<hbm>>) target(%arg9 : memref<128x128xf32, #tpu.memory_space<vmem>>) offsets(%dma_start3A_98 : memref<128xi32, #tpu.memory_space<vmem>>) semaphore(%arg15 : memref<!tpu.dma_semaphore, #tpu.memory_space<semaphore_mem>>)
        } else {
        }
      } else {
      }
    }
    %scan3A_57 = arith.constant 37 : i32
    %barrier3A_58 = arith.constant 0 : index
    tpu.barrier barrier_id(%barrier3A_58)
    %mul3A_59 = arith.constant 376 : i32
    %mul3A_60 = arith.muli %arg1, %mul3A_59 : i32
    %mul3A_61 = arith.constant 376 : i32
    %mul3A_62 = arith.muli %arg1, %mul3A_61 : i32
    "tpu.region"() ({
      %run_scoped3A = tpu.sem_alloc : memref<!tpu.dma_semaphore, #tpu.memory_space<semaphore_mem>>
      %dma_start3A_63 = arith.constant 0 : i32
      %dma_start3A_64 = tpu.memref_slice %arg6[%arg0, %mul3A_62, %dma_start3A_63] : memref<2x6016x128xf32, #tpu.memory_space<hbm>> -> memref<1x376x128xf32, #tpu.memory_space<hbm>>
      %dma_start3A_65 = tpu.memref_squeeze %dma_start3A_64 : memref<1x376x128xf32, #tpu.memory_space<hbm>> -> memref<376x128xf32, #tpu.memory_space<hbm>>
      %dma_start3A_66 = arith.constant 0 : i32
      %dma_start3A_67 = tpu.memref_slice %arg12[%mul3A_60, %dma_start3A_66] : memref<6016x128xf32, #tpu.memory_space<vmem_shared>> -> memref<376x128xf32, #tpu.memory_space<vmem_shared>>
      tpu.enqueue_dma source(%dma_start3A_67 : memref<376x128xf32, #tpu.memory_space<vmem_shared>>) target(%dma_start3A_65 : memref<376x128xf32, #tpu.memory_space<hbm>>) target_semaphore(%run_scoped3A : memref<!tpu.dma_semaphore, #tpu.memory_space<semaphore_mem>>)
      %dma_wait3A_68 = arith.constant 0 : i32
      %dma_wait3A_69 = tpu.memref_slice %arg6[%arg0, %mul3A_62, %dma_wait3A_68] : memref<2x6016x128xf32, #tpu.memory_space<hbm>> -> memref<1x376x128xf32, #tpu.memory_space<hbm>>
      %dma_wait3A_70 = tpu.memref_squeeze %dma_wait3A_69 : memref<1x376x128xf32, #tpu.memory_space<hbm>> -> memref<376x128xf32, #tpu.memory_space<hbm>>
      %dma_wait3A_71 = arith.constant 0 : i32
      %dma_wait3A_72 = tpu.memref_slice %arg12[%mul3A_60, %dma_wait3A_71] : memref<6016x128xf32, #tpu.memory_space<vmem_shared>> -> memref<376x128xf32, #tpu.memory_space<vmem_shared>>
      tpu.wait_dma2 semaphore(%run_scoped3A : memref<!tpu.dma_semaphore, #tpu.memory_space<semaphore_mem>>) src(%dma_wait3A_72 : memref<376x128xf32, #tpu.memory_space<vmem_shared>>) dst(%dma_wait3A_70 : memref<376x128xf32, #tpu.memory_space<hbm>>)
      tpu.yield
    }) : () -> ()
    return
  }
}

module attributes {stable_mosaic.version = 14 : i64} {
  func.func @body(%arg0: memref<32x160x128xf32, #tpu.memory_space<vmem>>, %arg1: memref<10000x128xf32, #tpu.memory_space<vmem>>, %arg2: memref<10000x128xf32, #tpu.memory_space<vmem>>, %arg3: memref<160x128xf32, #tpu.memory_space<vmem>>) attributes {dimension_semantics = [], scalar_prefetch = 0 : i64, scratch_operands = 0 : i64, tpu.core_type = #tpu.core_type<tc>} {
    %get3A = arith.constant 0 : index
    %get3A_0 = arith.constant 0 : index
    %get3A_1 = arith.constant 0 : index
    %get3A_2 = vector.load %arg0[%get3A, %get3A_0, %get3A_1] : memref<32x160x128xf32, #tpu.memory_space<vmem>>, vector<32x160x128xf32>
    %reduce_sum3A = arith.constant dense<0.000000e+00> : vector<160x128xf32>
    %reduce_sum3A_3 = vector.multi_reduction <add>, %get3A_2, %reduce_sum3A [0] : vector<32x160x128xf32> to vector<160x128xf32>
    %max3A = arith.constant 1.000000e+00 : f32
    %max3A_4 = vector.broadcast %max3A : f32 to vector<160x128xf32>
    %max3A_5 = arith.maximumf %reduce_sum3A_3, %max3A_4 : vector<160x128xf32>
    %rsqrt3A = math.rsqrt %max3A_5 : vector<160x128xf32>
    %swap3A = arith.constant 0 : index
    %swap3A_6 = arith.constant 0 : index
    %swap3A_7 = vector.load %arg3[%swap3A, %swap3A_6] : memref<160x128xf32, #tpu.memory_space<vmem>>, vector<160x128xf32>
    tpu.vector_store %arg3[%swap3A, %swap3A_6], %rsqrt3A {strides = array<i32>} : memref<160x128xf32, #tpu.memory_space<vmem>>, vector<160x128xf32>,
    %reshape3A = vector.shape_cast %rsqrt3A : vector<160x128xf32> to vector<20480xf32>
    %slice3A = vector.extract_strided_slice %reshape3A {offsets = [0], sizes = [1000], strides = [1]} : vector<20480xf32> to vector<1000xf32>
    %slice3A_8 = vector.extract_strided_slice %reshape3A {offsets = [2016], sizes = [6000], strides = [1]} : vector<20480xf32> to vector<6000xf32>
    %slice3A_9 = vector.extract_strided_slice %reshape3A {offsets = [11024], sizes = [3000], strides = [1]} : vector<20480xf32> to vector<3000xf32>
    %concatenate3A = tpu.concatenate %slice3A, %slice3A_8, %slice3A_9 in 0 : vector<1000xf32>, vector<6000xf32>, vector<3000xf32> -> vector<10000xf32>
    %get3A_10 = arith.constant 0 : index
    %get3A_11 = arith.constant 0 : index
    %get3A_12 = vector.load %arg1[%get3A_10, %get3A_11] : memref<10000x128xf32, #tpu.memory_space<vmem>>, vector<10000x128xf32>
    %broadcast_in_dim3A = vector.shape_cast %concatenate3A : vector<10000xf32> to vector<10000x1xf32>
    %mul3A = vector.broadcast %broadcast_in_dim3A : vector<10000x1xf32> to vector<10000x128xf32>
    %mul3A_13 = arith.mulf %get3A_12, %mul3A : vector<10000x128xf32>
    %swap3A_14 = arith.constant 0 : index
    %swap3A_15 = arith.constant 0 : index
    %swap3A_16 = vector.load %arg2[%swap3A_14, %swap3A_15] : memref<10000x128xf32, #tpu.memory_space<vmem>>, vector<10000x128xf32>
    tpu.vector_store %arg2[%swap3A_14, %swap3A_15], %mul3A_13 {strides = array<i32>} : memref<10000x128xf32, #tpu.memory_space<vmem>>, vector<10000x128xf32>,
    return
  }
}

module attributes {stable_mosaic.version = 14 : i64} {
  func.func @body(%arg0: memref<2x6016x128xf32, #tpu.memory_space<vmem>>, %arg1: memref<160x128xf32, #tpu.memory_space<vmem>>, %arg2: memref<128x128xf32, #tpu.memory_space<vmem>>, %arg3: memref<128xf32, #tpu.memory_space<vmem>>, %arg4: memref<128x128xf32, #tpu.memory_space<vmem>>, %arg5: memref<128xf32, #tpu.memory_space<vmem>>, %arg6: memref<128x128xf32, #tpu.memory_space<vmem>>, %arg7: memref<128xf32, #tpu.memory_space<vmem>>, %arg8: memref<10000x128xf32, #tpu.memory_space<vmem>>) attributes {dimension_semantics = [], scalar_prefetch = 0 : i64, scratch_operands = 0 : i64, tpu.core_type = #tpu.core_type<tc>} {
    %get3A = arith.constant 0 : index
    %get3A_0 = arith.constant 0 : index
    %get3A_1 = vector.load %arg1[%get3A, %get3A_0] : memref<160x128xf32, #tpu.memory_space<vmem>>, vector<160x128xf32>
    %reshape3A = vector.shape_cast %get3A_1 : vector<160x128xf32> to vector<20480xf32>
    %get3A_2 = arith.constant 0 : index
    %get3A_3 = arith.constant 0 : index
    %get3A_4 = arith.constant 0 : index
    %get3A_5 = vector.load %arg0[%get3A_2, %get3A_3, %get3A_4] : memref<2x6016x128xf32, #tpu.memory_space<vmem>>, vector<1x3000x128xf32>
    %get3A_6 = vector.shape_cast %get3A_5 : vector<1x3000x128xf32> to vector<3000x128xf32>
    %get3A_7 = arith.constant 0 : index
    %get3A_8 = arith.constant 0 : index
    %get3A_9 = vector.load %arg2[%get3A_7, %get3A_8] : memref<128x128xf32, #tpu.memory_space<vmem>>, vector<128x128xf32>
    %get3A_10 = arith.constant 0 : index
    %get3A_11 = vector.load %arg3[%get3A_10] : memref<128xf32, #tpu.memory_space<vmem>>, vector<128xf32>
    %slice3A = vector.extract_strided_slice %reshape3A {offsets = [8016], sizes = [3000], strides = [1]} : vector<20480xf32> to vector<3000xf32>
    %broadcast_in_dim3A = vector.shape_cast %slice3A : vector<3000xf32> to vector<3000x1xf32>
    %mul3A = vector.broadcast %broadcast_in_dim3A : vector<3000x1xf32> to vector<3000x128xf32>
    %mul3A_12 = arith.mulf %get3A_6, %mul3A : vector<3000x128xf32>
    %dot_general3A = arith.constant dense<0.000000e+00> : vector<3000x128xf32>
    %dot_general3A_13 = tpu.matmul %mul3A_12, %get3A_9, %dot_general3A {dimension_numbers = #tpu.dot_dimension_numbers<[1], [0], [0], [1], [0, 0, 1, 1], [], []>, transpose_lhs_hint = false} : vector<3000x128xf32>, vector<128x128xf32>, vector<3000x128xf32> -> vector<3000x128xf32>
    %broadcast_in_dim3A_14 = vector.shape_cast %get3A_11 : vector<128xf32> to vector<1x128xf32>
    %add3A = vector.broadcast %broadcast_in_dim3A_14 : vector<1x128xf32> to vector<3000x128xf32>
    %add3A_15 = arith.addf %dot_general3A_13, %add3A : vector<3000x128xf32>
    %max3A = arith.constant 0.000000e+00 : f32
    %max3A_16 = vector.broadcast %max3A : f32 to vector<3000x128xf32>
    %max3A_17 = arith.maximumf %add3A_15, %max3A_16 : vector<3000x128xf32>
    %min3A = arith.constant 0.000000e+00 : f32
    %min3A_18 = vector.broadcast %min3A : f32 to vector<3000x128xf32>
    %min3A_19 = arith.minimumf %add3A_15, %min3A_18 : vector<3000x128xf32>
    %mul3A_20 = arith.constant 0.00999999977 : f32
    %mul3A_21 = vector.broadcast %mul3A_20 : f32 to vector<3000x128xf32>
    %mul3A_22 = arith.mulf %mul3A_21, %min3A_19 : vector<3000x128xf32>
    %add3A_23 = arith.addf %max3A_17, %mul3A_22 : vector<3000x128xf32>
    %swap3A = arith.constant 0 : index
    %swap3A_24 = arith.constant 0 : index
    %swap3A_25 = vector.load %arg8[%swap3A, %swap3A_24] : memref<10000x128xf32, #tpu.memory_space<vmem>>, vector<3000x128xf32>
    tpu.vector_store %arg8[%swap3A, %swap3A_24], %add3A_23 {strides = array<i32>} : memref<10000x128xf32, #tpu.memory_space<vmem>>, vector<3000x128xf32>,
    %get3A_26 = arith.constant 1 : index
    %get3A_27 = arith.constant 0 : index
    %get3A_28 = arith.constant 0 : index
    %get3A_29 = vector.load %arg0[%get3A_26, %get3A_27, %get3A_28] : memref<2x6016x128xf32, #tpu.memory_space<vmem>>, vector<1x6000x128xf32>
    %get3A_30 = vector.shape_cast %get3A_29 : vector<1x6000x128xf32> to vector<6000x128xf32>
    %get3A_31 = arith.constant 0 : index
    %get3A_32 = arith.constant 0 : index
    %get3A_33 = vector.load %arg4[%get3A_31, %get3A_32] : memref<128x128xf32, #tpu.memory_space<vmem>>, vector<128x128xf32>
    %get3A_34 = arith.constant 0 : index
    %get3A_35 = vector.load %arg5[%get3A_34] : memref<128xf32, #tpu.memory_space<vmem>>, vector<128xf32>
    %slice3A_36 = vector.extract_strided_slice %reshape3A {offsets = [14032], sizes = [6000], strides = [1]} : vector<20480xf32> to vector<6000xf32>
    %broadcast_in_dim3A_37 = vector.shape_cast %slice3A_36 : vector<6000xf32> to vector<6000x1xf32>
    %mul3A_38 = vector.broadcast %broadcast_in_dim3A_37 : vector<6000x1xf32> to vector<6000x128xf32>
    %mul3A_39 = arith.mulf %get3A_30, %mul3A_38 : vector<6000x128xf32>
    %dot_general3A_40 = arith.constant dense<0.000000e+00> : vector<6000x128xf32>
    %dot_general3A_41 = tpu.matmul %mul3A_39, %get3A_33, %dot_general3A_40 {dimension_numbers = #tpu.dot_dimension_numbers<[1], [0], [0], [1], [0, 0, 1, 1], [], []>, transpose_lhs_hint = false} : vector<6000x128xf32>, vector<128x128xf32>, vector<6000x128xf32> -> vector<6000x128xf32>
    %broadcast_in_dim3A_42 = vector.shape_cast %get3A_35 : vector<128xf32> to vector<1x128xf32>
    %add3A_43 = vector.broadcast %broadcast_in_dim3A_42 : vector<1x128xf32> to vector<6000x128xf32>
    %add3A_44 = arith.addf %dot_general3A_41, %add3A_43 : vector<6000x128xf32>
    %max3A_45 = arith.constant 0.000000e+00 : f32
    %max3A_46 = vector.broadcast %max3A_45 : f32 to vector<6000x128xf32>
    %max3A_47 = arith.maximumf %add3A_44, %max3A_46 : vector<6000x128xf32>
    %min3A_48 = arith.constant 0.000000e+00 : f32
    %min3A_49 = vector.broadcast %min3A_48 : f32 to vector<6000x128xf32>
    %min3A_50 = arith.minimumf %add3A_44, %min3A_49 : vector<6000x128xf32>
    %mul3A_51 = arith.constant 0.00999999977 : f32
    %mul3A_52 = vector.broadcast %mul3A_51 : f32 to vector<6000x128xf32>
    %mul3A_53 = arith.mulf %mul3A_52, %min3A_50 : vector<6000x128xf32>
    %add3A_54 = arith.addf %max3A_47, %mul3A_53 : vector<6000x128xf32>
    %swap3A_55 = arith.constant 3000 : index
    %swap3A_56 = arith.constant 0 : index
    %swap3A_57 = vector.load %arg8[%swap3A_55, %swap3A_56] : memref<10000x128xf32, #tpu.memory_space<vmem>>, vector<6000x128xf32>
    tpu.vector_store %arg8[%swap3A_55, %swap3A_56], %add3A_54 {strides = array<i32>} : memref<10000x128xf32, #tpu.memory_space<vmem>>, vector<6000x128xf32>,
    %get3A_58 = arith.constant 0 : index
    %get3A_59 = arith.constant 3008 : index
    %get3A_60 = arith.constant 0 : index
    %get3A_61 = vector.load %arg0[%get3A_58, %get3A_59, %get3A_60] : memref<2x6016x128xf32, #tpu.memory_space<vmem>>, vector<1x1000x128xf32>
    %get3A_62 = vector.shape_cast %get3A_61 : vector<1x1000x128xf32> to vector<1000x128xf32>
    %get3A_63 = arith.constant 0 : index
    %get3A_64 = arith.constant 0 : index
    %get3A_65 = vector.load %arg6[%get3A_63, %get3A_64] : memref<128x128xf32, #tpu.memory_space<vmem>>, vector<128x128xf32>
    %get3A_66 = arith.constant 0 : index
    %get3A_67 = vector.load %arg7[%get3A_66] : memref<128xf32, #tpu.memory_space<vmem>>, vector<128xf32>
    %slice3A_68 = vector.extract_strided_slice %reshape3A {offsets = [1008], sizes = [1000], strides = [1]} : vector<20480xf32> to vector<1000xf32>
    %broadcast_in_dim3A_69 = vector.shape_cast %slice3A_68 : vector<1000xf32> to vector<1000x1xf32>
    %mul3A_70 = vector.broadcast %broadcast_in_dim3A_69 : vector<1000x1xf32> to vector<1000x128xf32>
    %mul3A_71 = arith.mulf %get3A_62, %mul3A_70 : vector<1000x128xf32>
    %dot_general3A_72 = arith.constant dense<0.000000e+00> : vector<1000x128xf32>
    %dot_general3A_73 = tpu.matmul %mul3A_71, %get3A_65, %dot_general3A_72 {dimension_numbers = #tpu.dot_dimension_numbers<[1], [0], [0], [1], [0, 0, 1, 1], [], []>, transpose_lhs_hint = false} : vector<1000x128xf32>, vector<128x128xf32>, vector<1000x128xf32> -> vector<1000x128xf32>
    %broadcast_in_dim3A_74 = vector.shape_cast %get3A_67 : vector<128xf32> to vector<1x128xf32>
    %add3A_75 = vector.broadcast %broadcast_in_dim3A_74 : vector<1x128xf32> to vector<1000x128xf32>
    %add3A_76 = arith.addf %dot_general3A_73, %add3A_75 : vector<1000x128xf32>
    %max3A_77 = arith.constant 0.000000e+00 : f32
    %max3A_78 = vector.broadcast %max3A_77 : f32 to vector<1000x128xf32>
    %max3A_79 = arith.maximumf %add3A_76, %max3A_78 : vector<1000x128xf32>
    %min3A_80 = arith.constant 0.000000e+00 : f32
    %min3A_81 = vector.broadcast %min3A_80 : f32 to vector<1000x128xf32>
    %min3A_82 = arith.minimumf %add3A_76, %min3A_81 : vector<1000x128xf32>
    %mul3A_83 = arith.constant 0.00999999977 : f32
    %mul3A_84 = vector.broadcast %mul3A_83 : f32 to vector<1000x128xf32>
    %mul3A_85 = arith.mulf %mul3A_84, %min3A_82 : vector<1000x128xf32>
    %add3A_86 = arith.addf %max3A_79, %mul3A_85 : vector<1000x128xf32>
    %swap3A_87 = arith.constant 9000 : index
    %swap3A_88 = arith.constant 0 : index
    %swap3A_89 = vector.load %arg8[%swap3A_87, %swap3A_88] : memref<10000x128xf32, #tpu.memory_space<vmem>>, vector<1000x128xf32>
    tpu.vector_store %arg8[%swap3A_87, %swap3A_88], %add3A_86 {strides = array<i32>} : memref<10000x128xf32, #tpu.memory_space<vmem>>, vector<1000x128xf32>,
    return
  }
}

</mosaic_0001>

<sc_bundles>
// kernel: kernel.6.cloned.1.call-start
scs
__scs_entry_jumppad:
0x0: {  	(pc) =	sbr.rel $0x88, $3  }
0x1: {  	(tag) =	ssettag $0x0;
	lr =	simm.s32 $0x1  }
0x2: {  	[smem:$0x3F95] =	sst lr;
	_ =	strace $0xD0000000  }
0x3: {  	_ = 	snop  }
0x4: {  	_ = 	snop  }
0x5: {  	_ = 	snop  }
0x6: {  	_ = 	snop  }
0x7: {  	_ = 	snop  }
__scs_overlays_trampoline_lowered:
0x8: {  	[smem:$0x3FA4] =	sst s0  }
0x9: {  	[smem:$0x3FA5] =	sst s1  }
0xa: {  	[smem:$0x3FA6] =	sst s2  }
0xb: {  	[smem:$0x3FA7] =	sst s3  }
0xc: {  	[smem:$0x3FA8] =	sst s4  }
0xd: {  	[smem:$0x3FA9] =	sst s5  }
0xe: {  	[smem:$0x3FAA] =	sst s6  }
0xf: {  	[smem:$0x3FAB] =	sst s7  }
0x10: {  	[smem:$0x3FAC] =	sst s8  }
0x11: {  	[smem:$0x3FAD] =	sst s9;
	s0 =	simm.s32 @!p0 $0x0  }
0x12: {  	s1 =	sld [smem:$0x3F93];
	s0 =	simm.s32 @p0 $0x1  }
0x13: {  	[smem:$0x3FAE] =	sst s0;
	s0 =	simm.s32 @!p1 $0x0  }
0x14: {  	s2 =	sld [smem:$0x3F92];
	s0 =	simm.s32 @p1 $0x1  }
0x15: {  	[smem:$0x3FAF] =	sst s0;
	s0 =	simm.s32 @!p2 $0x0  }
0x16: {  	s3 =	sld [smem:$0x3FDB];
	s0 =	simm.s32 @p2 $0x1  }
0x17: {  	s4 =	simm.s32 $0x1BF5;
	[smem:$0x3FB1] =	sst s0  }
0x18: {  	s0 =	sld [smem:$0x3F94];
	_ =	swait.ge [sflag:s4], $0x0  }
0x19: {  	s7 =	sld [smem:$0x3F95]  }
0x1a: {  	s8 =	sadd.s32 $0xFFFFE003, lr  }
0x1b: {  	s9 =	sadd.s32 $0xFFFFFEF7, lr;
	s5 =	simm.s32 $0xFFFFFFFF;
	p2 =	slt.u32 s8, $0xFFFFF086  }
0x1c: {  	p1 =	slt.u32 s9, $0xF7A;
	s5 =	simm.s32 @!p2 $0x0  }
0x1d: {  	s5 =	simm.s32 @p1 $0x1;
	p0 =	seq.s32 s7, s2  }
0x1e: {  	s7 =	smul.u32 @!p0 $0xF7A, s2;
	p2 =	seq.s32 @!p0 s5, $0x0  }
0x1f: {  	s9 =	smul.u32 $0xF7A, s1;
	s8 =	simm.s32 @!p0 $0x1BF5;
	p2 =	por !p2, p0  }
0x20: {  	[sflag:s8] =	ssyncset.s32 @!p0 $0xFFFFF086;
	s6 =	sadd.s32 @!p0 s3, s7;
	s7 =	simm.s32 @!p0 $0x108  }
0x21: {  	s3 =	sadd.s32 s3, s9;
	s6 =	sadd.s32 @!p0 $0x88, s6;
	s7 =	simm.s32 @p2 $0x1082  }
0x22: {  	[simem:s7], [sflag:s8] =	dma.local @!p0 [hbm:s6], $0xF7A  }
0x23: {  	s9 =	sor.u32 $0xD0000000, s2;
	s6 =	simm.s32 $0x108;
	_ =	swait.ge @!p0 [sflag:s8], $0x0  }
0x24: {  	s3 =	sadd.s32 $0x88, s3;
	s6 =	simm.s32 @!p1 $0x1082;
	[sflag:s4] =	ssyncset.s32 $0xFFFFF086  }
0x25: {  	[simem:s6], [sflag:s4] =	dma.local [hbm:s3], $0xF7A  }
0x26: {  	[smem:$0x3F95] =	sst s1;
	(tag) =	ssettag s2;
	_ =	strace s9  }
0x27: {  	s1 =	sld [smem:$0x3FA5]  }
0x28: {  	s2 =	sld [smem:$0x3FA6]  }
0x29: {  	s4 =	sld [smem:$0x3FA8]  }
0x2a: {  	p0 =	seq.s32 s5, $0x0;
	s5 =	sld [smem:$0x3FA9]  }
0x2b: {  	s6 =	sld [smem:$0x3FAA]  }
0x2c: {  	s7 =	sld [smem:$0x3FAB]  }
0x2d: {  	s3 =	simm.s32 $0x108;
	s8 =	sld [smem:$0x3FAC]  }
0x2e: {  	s3 =	simm.s32 @!p0 $0x1082;
	s9 =	sld [smem:$0x3FAD]  }
0x2f: {  	lr =	sadd.s32 s0, s3;
	s0 =	sld [smem:$0x3FA4]  }
0x30: {  	s3 =	sld [smem:$0x3FA7]  }
0x31: {  	[smem:$0x3FB0] =	sst s10  }
0x32: {  	s10 =	sld [smem:$0x3FAE];
	_ =	sdelay $0x3  }
0x33: {  	p0 =	seq.s32 s10, $0x1;
	s10 =	sld [smem:$0x3FB0];
	_ =	sdelay $0x3  }
0x34: {  	[smem:$0x3FB0] =	sst s10  }
0x35: {  	s10 =	sld [smem:$0x3FAF];
	_ =	sdelay $0x3  }
0x36: {  	p1 =	seq.s32 s10, $0x1;
	s10 =	sld [smem:$0x3FB0];
	_ =	sdelay $0x3  }
0x37: {  	[smem:$0x3FB0] =	sst s10  }
0x38: {  	s10 =	sld [smem:$0x3FB1]  }
0x39: {  	_ = 	snop;
	(pc) =	sbr.ind lr, $3  }
0x3a: {  	_ = 	snop  }
0x3b: {  	_ = 	snop  }
0x3c: {  	p2 =	seq.s32 s10, $0x1;
	s10 =	sld [smem:$0x3FB0]  }
0x3d: {  	_ =	shalt  }
0x3e: {  	_ =	shalt  }
0x3f: {  	_ =	shalt  }
0x40: {  	_ =	shalt  }
0x41: {  	_ =	shalt  }
0x42: {  	_ =	shalt  }
0x43: {  	_ =	shalt  }
0x44: {  	_ =	shalt  }
0x45: {  	_ =	shalt  }
0x46: {  	_ =	shalt  }
0x47: {  	_ =	shalt  }
0x48: {  	_ =	shalt  }
0x49: {  	_ =	shalt  }
0x4a: {  	_ =	shalt  }
0x4b: {  	_ =	shalt  }
0x4c: {  	_ =	shalt  }
0x4d: {  	_ =	shalt  }
0x4e: {  	_ =	shalt  }
0x4f: {  	_ =	shalt  }
0x50: {  	_ =	shalt  }
0x51: {  	_ =	shalt  }
0x52: {  	_ =	shalt  }
0x53: {  	_ =	shalt  }
0x54: {  	_ =	shalt  }
0x55: {  	_ =	shalt  }
0x56: {  	_ =	shalt  }
0x57: {  	_ =	shalt  }
0x58: {  	_ =	shalt  }
0x59: {  	_ =	shalt  }
0x5a: {  	_ =	shalt  }
0x5b: {  	_ =	shalt  }
0x5c: {  	_ =	shalt  }
0x5d: {  	_ =	shalt  }
0x5e: {  	_ =	shalt  }
0x5f: {  	_ =	shalt  }
0x60: {  	_ =	shalt  }
0x61: {  	_ =	shalt  }
0x62: {  	_ =	shalt  }
0x63: {  	_ =	shalt  }
0x64: {  	_ =	shalt  }
0x65: {  	_ =	shalt  }
0x66: {  	_ =	shalt  }
0x67: {  	_ =	shalt  }
0x68: {  	_ =	shalt  }
0x69: {  	_ =	shalt  }
0x6a: {  	_ =	shalt  }
0x6b: {  	_ =	shalt  }
0x6c: {  	_ =	shalt  }
0x6d: {  	_ =	shalt  }
0x6e: {  	_ =	shalt  }
0x6f: {  	_ =	shalt  }
0x70: {  	_ =	shalt  }
0x71: {  	_ =	shalt  }
0x72: {  	_ =	shalt  }
0x73: {  	_ =	shalt  }
0x74: {  	_ =	shalt  }
0x75: {  	_ =	shalt  }
0x76: {  	_ =	shalt  }
0x77: {  	_ =	shalt  }
0x78: {  	_ =	shalt  }
0x79: {  	_ =	shalt  }
0x7a: {  	_ =	shalt  }
0x7b: {  	_ =	shalt  }
0x7c: {  	_ =	shalt  }
0x7d: {  	_ =	shalt  }
0x7e: {  	_ =	shalt  }
0x7f: {  	_ =	shalt  }
0x80: {  	_ =	shalt  }
0x81: {  	_ =	shalt  }
0x82: {  	_ =	shalt  }
0x83: {  	_ =	shalt  }
0x84: {  	_ =	shalt  }
0x85: {  	_ =	shalt  }
0x86: {  	_ =	shalt  }
0x87: {  	_ =	shalt  }
.Lfunc_end0:
.L_simem_size_0:
called_computation_lowered:
.L_overlay_start_0:
0x88: {  	s2 =	sld [smem:$0x3FD9]  }
0x89: {  	s3 =	sld [smem:$0x3FFE];
	_ =	sdelay $0x1  }
0x8a: {  	s1 =	srdreg.scid  }
0x8b: {  	s0 =	sand.u32 $0x1, s1  }
0x8c: {  	s17 =	sshll.u32 s0, $0xA;
	s2 =	sadd.s32 s3, s2  }
0x8d: {  	s2 =	sadd.s32 s2, s17  }
0x8e: {  	[smem:$0x3FBC] =	sst s2  }
0x8f: {  	_ = 	snop  }
0x90: {  	s2 =	sld [smem:$0x3FD0];
	(tm) =	ssettm $0x1  }
0x91: {  	s18 =	sld [smem:$0x3FFB];
	_ =	sdelay $0x3  }
0x92: {  	_ =	strace s18  }
0x93: {  	s3 =	sld [smem:$0x3FFC];
	_ =	sdelay $0x3  }
0x94: {  	_ =	strace s3  }
0x95: {  	s3 =	sld [smem:$0x3FFD];
	_ =	sdelay $0x3  }
0x96: {  	_ =	strace s3  }
0x97: {  	_ =	strace $0x8FFFFFFF  }
0x98: {  	s19 =	sld [smem:$0x3FDB];
	_ =	sdelay $0x1  }
0x99: {  	s4 =	simm.s32 $_scs_section_size  }
0x9a: {  	s5 =	simm.s32 $_size__tile_overlayer_lowered;
	s6 =	simm.s32 $_tile_overlayer_lowered  }
0x9b: {  	s22 =	simm.s32 $0x1BFF;
	s21 =	sshll.u32 s6, $0x1;
	s3 =	sadd.s32 s4, s19  }
0x9c: {  	s7 =	simm.s32 $0x0;
	s20 =	sshll.u32 s5, $0x1;
	s5 =	sadd.s32 s21, s3  }
0x9d: {  	[timem:s7], [sflag:s22] =	dma.local [hbm:s5], s20  }
0x9e: {  	_ =	swait.ge [sflag:s22], s20  }
0x9f: {  	s4 =	ssub.s32 $0x0, s20;
	[sflag:s22] =	ssyncset.done $0x0  }
0xa0: {  	[sflag:s22] =	ssyncadd.s32 s4;
	_ =	sdelay $0x1  }
0xa1: {  	s23 =	simm.s32 $0x1B8B  }
0xa2: {  	_ =	swait.ge [sflag:s23], $0x1  }
0xa3: {  	[sflag:s23] =	ssyncset.done $0x0  }
0xa4: {  	s25 =	simm.s32 $0x1B8E;
	s24 =	sld [smem:$0x3FFE];
	[sflag:s23] =	ssyncadd.s32 $0xFFFFFFFF  }
0xa5: {  	s26 =	simm.s32 $execute0_lowered;
	[smem:$0x3FD2] =	sst s25  }
0xa6: {  	s5 =	sshll.u32 s26, $0x1;
	_ =	strace $0x80000046;
	[dreg:$0x1] =	wrdreg $0xFFFFFFFF  }
0xa7: {  	s28 =	simm.s32 $_size_execute0_lowered;
	s3 =	sadd.s32 s3, s5;
	[dreg:$0x0] =	wrdreg $0x0  }
0xa8: {  	s5 =	sshll.u32 s28, $0x1;
	[dreg:$0x2] =	wrdreg s3  }
0xa9: {  	[dreg:$0x3] =	wrdreg s5  }
0xaa: {  	[dreg:$0x4] =	wrdreg $0xC0  }
0xab: {  	_ =	task [dreg:s7], $0x5FFFF  }
0xac: {  	[dreg:$0x1] =	wrdreg $0xFFFFFFFF  }
0xad: {  	[dreg:$0x0] =	wrdreg $0x60  }
0xae: {  	[dreg:$0x2] =	wrdreg s2  }
0xaf: {  	[dreg:$0x3] =	wrdreg s24  }
0xb0: {  	[dreg:$0x4] =	wrdreg $0x9  }
0xb1: {  	_ =	task.clear_ibuf [dreg:s7], $0x5FFFF;
	_ =	strace $0x90000046  }
0xb2: {  	s29 =	simm.s32 $0x9;
	_ =	strace $0x80000048  }
0xb3: {  	_ =	swait.ge [sflag:s29], $0x1  }
0xb4: {  	[sflag:s29] =	ssyncadd.s32 $0xFFFFFFFF  }
0xb5: {  	_ =	strace $0x90000048  }
0xb6: {  	_ =	sfence  }
0xb7: {  	s30 =	sld [smem:$0x0];
	_ =	sdelay $0x2  }
0xb8: {  	s31 =	sshll.u32 s1, $0xD;
	s1 =	sshrl.u32 s1, $0x2  }
0xb9: {  	s3 =	sand.u32 $0x4000, s31;
	s1 =	sadd.s32 s1, s30  }
0xba: {  	s0 =	sor.u32 s3, s0;
	s1 =	sshll.u32 s1, $0x11  }
0xbb: {  	s0 =	sor.u32 s1, s0  }
0xbc: {  	s0 =	sadd.s32 $0x8F2B, s0  }
0xbd: {  	[sflag:s0] =	ssyncadd.remote.s32 $0x1  }
0xbe: {  	_ =	sfence.sel $0xFFFF  }
0xbf: {  	[dreg:$0x0] =	wrdreg $0xFFFFFFFF;
	(pc) =	sbr.abs _section_cstart, $3  }
0xc0: {  	[dreg:$0x1] =	wrdreg $0xFFFFFFFF  }
0xc1: {  	_ =	task.clear_ibuf [dreg:s7], $0x2FFFF;
	_ =	strace $0x9FFFFFFF  }
0xc2: {  	(tm) =	ssettm $0x7FFFFFFF  }
0xc3: {  	_ =	shalt  }
tec
execute0_lowered:
.L_overlay_start_1:
0x0: {  	(tag) =	ssettag $0x1  }
0x1: {  	s4 =	rddreg [dreg:$0x0]  }
0x2: {  	s0 =	srdreg.scid;
	s5 =	rddreg [dreg:$0x1]  }
0x3: {  	s2 =	simm.s32 $0x0;
	s10 =	simm.s32 $0x2;
	s3 =	sand.u32 $0x1, s0  }
0x4: {  	s11 =	simm.s32 $0x0;
	s0 =	stileid.u32;
	s1 =	sshll.u32 s3, $0x4  }
0x5: {  	[smem:$0x7FF] =	sst s2;
	s8 =	sshll.u32 s0, $0x7;
	s6 =	sor.u32 s0, s1  }
0x6: {  	s3 =	ssub.s32 $0x2, s3;
	s7 =	sshrl.u32 s6, $0x3;
	s6 =	smul.u32 $0xD00, s6  }
0x7: {  	s1 =	rddreg [dreg:$0x2];
	s9 =	sshrl.u32 s3, $0x1;
	s7 =	smul.u32 $0x28000, s7  }
0x8: {  	s8 =	sand.u32 $0x380, s8;
	_ =	strace $0x80000047;
	s31 =	ssub.s32 s3, s9  }
0x9: {  	s9 =	simm.s32 $0x400;
	s3 =	sadd.s32 s4, s6;
	s7 =	sor.u32 s8, s7  }
0xa: {  	s6 =	simm.s32 $0x5000;
	s8 =	simm.s32 $0x80;
	s7 =	sshrl.u32 s7, $0x3  }
0xb: {  	v0 =	vimm.f32 $0.0e+00;
	v1 =	vimm.f32 $1.000000000e+00;
	s4 =	sadd.s32 s5, s7;
	s5 =	smax.u32 s31, $0x1;
	s7 =	simm.s32 $0x1  }
.LBB2_1:
0xc: {  	[tilespmem:s6], [sflag:$0x1] =	stream.linear.gather [hbm4b:s3+s2], $0x6600, $0x38;
	[tilespmem:$0xB800] =	vst v63  }
0xd: {  	s12 =	simm.s32 $0x40;
	s13 =	simm.s32 $0x0  }
.LBB2_2:
0xe: {  	p0 =	sne.s32 s12, $0x13FC0;
	[tilespmem:s13+$0x0] =	vst v0;
	s13 =	smov.u32 s12;
	s12 =	sadd.s32 $0x40, s12  }
.Ltmp0:
0xf: {  	(pc) =	sbr.rel @p0 .LBB2_2-.Ltmp0, $2  }
0x10: {  	_ =	sdelay $0x2  }
0x11: {  	s13 =	sshra.s32 s13, $0x2  }
0x12: {  	[tilespmem:s13+$0x0] =	vst v0  }
0x13: {  	_ =	swait.ge [sflag:s7], $0x6600  }
0x14: {  	[sflag:s7] =	ssyncset.done $0x0  }
0x15: {  	s12 =	simm.s32 $0x1C0;
	[sflag:s7] =	ssyncadd.s32 $0xFFFF9A00  }
.LBB2_4:
0x16: {  	s13 =	sshra.s32 s12, $0x2  }
0x17: {  	v2 =	vld [tilespmem:s13+$0x4F90];
	_ =	sdelay $0x7  }
0x18: {  	[tilespmem:v2+s2+$0x0] =	vst.idx.add.f32.msk $0xffff, v1  }
0x19: {  	v2 =	vld [tilespmem:s13+$0x4FA0];
	_ =	sdelay $0x7  }
0x1a: {  	[tilespmem:v2+s2+$0x0] =	vst.idx.add.f32.msk $0xffff, v1  }
0x1b: {  	v2 =	vld [tilespmem:s13+$0x4FB0];
	_ =	sdelay $0x7  }
0x1c: {  	[tilespmem:v2+s2+$0x0] =	vst.idx.add.f32.msk $0xffff, v1  }
0x1d: {  	v2 =	vld [tilespmem:s13+$0x4FC0];
	_ =	sdelay $0x7  }
0x1e: {  	[tilespmem:v2+s2+$0x0] =	vst.idx.add.f32.msk $0xffff, v1  }
0x1f: {  	v2 =	vld [tilespmem:s13+$0x4FD0];
	_ =	sdelay $0x7  }
0x20: {  	[tilespmem:v2+s2+$0x0] =	vst.idx.add.f32.msk $0xffff, v1  }
0x21: {  	v2 =	vld [tilespmem:s13+$0x4FE0];
	_ =	sdelay $0x7  }
0x22: {  	[tilespmem:v2+s2+$0x0] =	vst.idx.add.f32.msk $0xffff, v1  }
0x23: {  	v2 =	vld [tilespmem:s13+$0x4FF0];
	_ =	sdelay $0x7  }
0x24: {  	[tilespmem:v2+s2+$0x0] =	vst.idx.add.f32.msk $0xffff, v1  }
0x25: {  	v2 =	vld [tilespmem:s13+$0x5000];
	_ =	sdelay $0x2  }
0x26: {  	p0 =	sne.s32 s12, $0x197C0  }
.Ltmp1:
0x27: {  	_ = 	snop;
	(pc) =	sbr.rel @p0 .LBB2_4-.Ltmp1, $2  }
0x28: {  	_ =	sdelay $0x2  }
0x29: {  	s12 =	sadd.s32 $0x200, s12;
	[tilespmem:v2+s2+$0x0] =	vst.idx.add.f32.msk $0xffff, v1  }
0x2a: {  	s11 =	sadd.s32 $0x1, s11  }
0x2b: {  	p0 =	sne.s32 s11, s5  }
.Ltmp2:
0x2c: {  	_ = 	snop;
	(pc) =	sbr.rel @p0 .LBB2_1-.Ltmp2, $4  }
0x2d: {  	[hbm4b:s4+s8] =	stream.strided.scatter [tilespmem:s2], [sflag:$0x2], $0x5000, s9, s8, $0x38;
	[tilespmem:$0xB800] =	vst v63  }
0x2e: {  	_ =	swait.ge [sflag:s10], $0x5000  }
0x2f: {  	[sflag:s10] =	ssyncset.done $0x0  }
0x30: {  	[sflag:s10] =	ssyncadd.s32 $0xFFFFB000  }
0x31: {  	_ =	sfence.sel $0x180000  }
0x32: {  	[bflag:$0x0] =	sbarrier.arrive $0xFFFF  }
0x33: {  	p0 =	sne.s32 s0, $0x0;
	_ =	strace $0x90000047  }
0x34: {  	s0 =	sadd.s32 @!p0 $0x100000, s1;
	[bflag:$0x2] =	sbarrier.arrive $0xFFFF  }
0x35: {  	[sflag:s0] =	ssyncadd.tile.s32 @!p0 $0x1;
	_ =	shalt  }
.Lfunc_end2:
_tile_overlayer_lowered:
.L_overlay_start_2:
0x36: {  	(tag) =	ssettag $0x2  }
0x37: {  	s0 =	rddreg [dreg:$0x0];
	s2 =	stileid.u32  }
0x38: {  	s1 =	rddreg [dreg:$0x1];
	p0 =	sne.s32 s2, $0x0  }
0x39: {  	s3 =	rddreg [dreg:$0x2];
	[bflag:$0x3] =	sbarrier.arrive $0xFFFF;
	s2 =	simm.s32 @!p0 $0x1C02  }
0x3a: {  	[timem:s3], [sflag:s2] =	dma.local @!p0 [hbm:s0], s1  }
0x3b: {  	s0 =	simm.s32 @!p0 $0x2  }
0x3c: {  	_ =	swait.ge @!p0 [sflag:s0], s1  }
0x3d: {  	s1 =	ssub.s32 @!p0 $0x0, s1;
	[sflag:s0] =	ssyncset.done @!p0 $0x0  }
0x3e: {  	[sflag:s0] =	ssyncadd.s32 @!p0 s1  }
0x3f: {  	[bflag:$0x3] =	sbarrier.arrive $0xFFFF  }
0x40: {  	_ =	shalt  }

// kernel: kernel.9.cloned.1.call-start
scs
__scs_entry_jumppad:
0x0: {  	(pc) =	sbr.rel $0x88, $3  }
0x1: {  	(tag) =	ssettag $0x0;
	lr =	simm.s32 $0x1  }
0x2: {  	[smem:$0x3F95] =	sst lr;
	_ =	strace $0xD0000000  }
0x3: {  	_ = 	snop  }
0x4: {  	_ = 	snop  }
0x5: {  	_ = 	snop  }
0x6: {  	_ = 	snop  }
0x7: {  	_ = 	snop  }
__scs_overlays_trampoline_lowered:
0x8: {  	[smem:$0x3FA4] =	sst s0  }
0x9: {  	[smem:$0x3FA5] =	sst s1  }
0xa: {  	[smem:$0x3FA6] =	sst s2  }
0xb: {  	[smem:$0x3FA7] =	sst s3  }
0xc: {  	[smem:$0x3FA8] =	sst s4  }
0xd: {  	[smem:$0x3FA9] =	sst s5  }
0xe: {  	[smem:$0x3FAA] =	sst s6  }
0xf: {  	[smem:$0x3FAB] =	sst s7  }
0x10: {  	[smem:$0x3FAC] =	sst s8  }
0x11: {  	[smem:$0x3FAD] =	sst s9;
	s0 =	simm.s32 @!p0 $0x0  }
0x12: {  	s1 =	sld [smem:$0x3F93];
	s0 =	simm.s32 @p0 $0x1  }
0x13: {  	[smem:$0x3FAE] =	sst s0;
	s0 =	simm.s32 @!p1 $0x0  }
0x14: {  	s2 =	sld [smem:$0x3F92];
	s0 =	simm.s32 @p1 $0x1  }
0x15: {  	[smem:$0x3FAF] =	sst s0;
	s0 =	simm.s32 @!p2 $0x0  }
0x16: {  	s3 =	sld [smem:$0x3FDB];
	s0 =	simm.s32 @p2 $0x1  }
0x17: {  	s4 =	simm.s32 $0x1BF5;
	[smem:$0x3FB1] =	sst s0  }
0x18: {  	s0 =	sld [smem:$0x3F94];
	_ =	swait.ge [sflag:s4], $0x0  }
0x19: {  	s7 =	sld [smem:$0x3F95]  }
0x1a: {  	s8 =	sadd.s32 $0xFFFFE003, lr  }
0x1b: {  	s9 =	sadd.s32 $0xFFFFFEF7, lr;
	s5 =	simm.s32 $0xFFFFFFFF;
	p2 =	slt.u32 s8, $0xFFFFF086  }
0x1c: {  	p1 =	slt.u32 s9, $0xF7A;
	s5 =	simm.s32 @!p2 $0x0  }
0x1d: {  	s5 =	simm.s32 @p1 $0x1;
	p0 =	seq.s32 s7, s2  }
0x1e: {  	s7 =	smul.u32 @!p0 $0xF7A, s2;
	p2 =	seq.s32 @!p0 s5, $0x0  }
0x1f: {  	s9 =	smul.u32 $0xF7A, s1;
	s8 =	simm.s32 @!p0 $0x1BF5;
	p2 =	por !p2, p0  }
0x20: {  	[sflag:s8] =	ssyncset.s32 @!p0 $0xFFFFF086;
	s6 =	sadd.s32 @!p0 s3, s7;
	s7 =	simm.s32 @!p0 $0x108  }
0x21: {  	s3 =	sadd.s32 s3, s9;
	s6 =	sadd.s32 @!p0 $0x88, s6;
	s7 =	simm.s32 @p2 $0x1082  }
0x22: {  	[simem:s7], [sflag:s8] =	dma.local @!p0 [hbm:s6], $0xF7A  }
0x23: {  	s9 =	sor.u32 $0xD0000000, s2;
	s6 =	simm.s32 $0x108;
	_ =	swait.ge @!p0 [sflag:s8], $0x0  }
0x24: {  	s3 =	sadd.s32 $0x88, s3;
	s6 =	simm.s32 @!p1 $0x1082;
	[sflag:s4] =	ssyncset.s32 $0xFFFFF086  }
0x25: {  	[simem:s6], [sflag:s4] =	dma.local [hbm:s3], $0xF7A  }
0x26: {  	[smem:$0x3F95] =	sst s1;
	(tag) =	ssettag s2;
	_ =	strace s9  }
0x27: {  	s1 =	sld [smem:$0x3FA5]  }
0x28: {  	s2 =	sld [smem:$0x3FA6]  }
0x29: {  	s4 =	sld [smem:$0x3FA8]  }
0x2a: {  	p0 =	seq.s32 s5, $0x0;
	s5 =	sld [smem:$0x3FA9]  }
0x2b: {  	s6 =	sld [smem:$0x3FAA]  }
0x2c: {  	s7 =	sld [smem:$0x3FAB]  }
0x2d: {  	s3 =	simm.s32 $0x108;
	s8 =	sld [smem:$0x3FAC]  }
0x2e: {  	s3 =	simm.s32 @!p0 $0x1082;
	s9 =	sld [smem:$0x3FAD]  }
0x2f: {  	lr =	sadd.s32 s0, s3;
	s0 =	sld [smem:$0x3FA4]  }
0x30: {  	s3 =	sld [smem:$0x3FA7]  }
0x31: {  	[smem:$0x3FB0] =	sst s10  }
0x32: {  	s10 =	sld [smem:$0x3FAE];
	_ =	sdelay $0x3  }
0x33: {  	p0 =	seq.s32 s10, $0x1;
	s10 =	sld [smem:$0x3FB0];
	_ =	sdelay $0x3  }
0x34: {  	[smem:$0x3FB0] =	sst s10  }
0x35: {  	s10 =	sld [smem:$0x3FAF];
	_ =	sdelay $0x3  }
0x36: {  	p1 =	seq.s32 s10, $0x1;
	s10 =	sld [smem:$0x3FB0];
	_ =	sdelay $0x3  }
0x37: {  	[smem:$0x3FB0] =	sst s10  }
0x38: {  	s10 =	sld [smem:$0x3FB1]  }
0x39: {  	_ = 	snop;
	(pc) =	sbr.ind lr, $3  }
0x3a: {  	_ = 	snop  }
0x3b: {  	_ = 	snop  }
0x3c: {  	p2 =	seq.s32 s10, $0x1;
	s10 =	sld [smem:$0x3FB0]  }
0x3d: {  	_ =	shalt  }
0x3e: {  	_ =	shalt  }
0x3f: {  	_ =	shalt  }
0x40: {  	_ =	shalt  }
0x41: {  	_ =	shalt  }
0x42: {  	_ =	shalt  }
0x43: {  	_ =	shalt  }
0x44: {  	_ =	shalt  }
0x45: {  	_ =	shalt  }
0x46: {  	_ =	shalt  }
0x47: {  	_ =	shalt  }
0x48: {  	_ =	shalt  }
0x49: {  	_ =	shalt  }
0x4a: {  	_ =	shalt  }
0x4b: {  	_ =	shalt  }
0x4c: {  	_ =	shalt  }
0x4d: {  	_ =	shalt  }
0x4e: {  	_ =	shalt  }
0x4f: {  	_ =	shalt  }
0x50: {  	_ =	shalt  }
0x51: {  	_ =	shalt  }
0x52: {  	_ =	shalt  }
0x53: {  	_ =	shalt  }
0x54: {  	_ =	shalt  }
0x55: {  	_ =	shalt  }
0x56: {  	_ =	shalt  }
0x57: {  	_ =	shalt  }
0x58: {  	_ =	shalt  }
0x59: {  	_ =	shalt  }
0x5a: {  	_ =	shalt  }
0x5b: {  	_ =	shalt  }
0x5c: {  	_ =	shalt  }
0x5d: {  	_ =	shalt  }
0x5e: {  	_ =	shalt  }
0x5f: {  	_ =	shalt  }
0x60: {  	_ =	shalt  }
0x61: {  	_ =	shalt  }
0x62: {  	_ =	shalt  }
0x63: {  	_ =	shalt  }
0x64: {  	_ =	shalt  }
0x65: {  	_ =	shalt  }
0x66: {  	_ =	shalt  }
0x67: {  	_ =	shalt  }
0x68: {  	_ =	shalt  }
0x69: {  	_ =	shalt  }
0x6a: {  	_ =	shalt  }
0x6b: {  	_ =	shalt  }
0x6c: {  	_ =	shalt  }
0x6d: {  	_ =	shalt  }
0x6e: {  	_ =	shalt  }
0x6f: {  	_ =	shalt  }
0x70: {  	_ =	shalt  }
0x71: {  	_ =	shalt  }
0x72: {  	_ =	shalt  }
0x73: {  	_ =	shalt  }
0x74: {  	_ =	shalt  }
0x75: {  	_ =	shalt  }
0x76: {  	_ =	shalt  }
0x77: {  	_ =	shalt  }
0x78: {  	_ =	shalt  }
0x79: {  	_ =	shalt  }
0x7a: {  	_ =	shalt  }
0x7b: {  	_ =	shalt  }
0x7c: {  	_ =	shalt  }
0x7d: {  	_ =	shalt  }
0x7e: {  	_ =	shalt  }
0x7f: {  	_ =	shalt  }
0x80: {  	_ =	shalt  }
0x81: {  	_ =	shalt  }
0x82: {  	_ =	shalt  }
0x83: {  	_ =	shalt  }
0x84: {  	_ =	shalt  }
0x85: {  	_ =	shalt  }
0x86: {  	_ =	shalt  }
0x87: {  	_ =	shalt  }
.Lfunc_end0:
.L_simem_size_0:
called_computation.1_lowered:
.L_overlay_start_0:
0x88: {  	s2 =	sld [smem:$0x3FD9]  }
0x89: {  	s3 =	sld [smem:$0x3FFE];
	_ =	sdelay $0x1  }
0x8a: {  	s1 =	srdreg.scid  }
0x8b: {  	s0 =	sand.u32 $0x1, s1  }
0x8c: {  	s17 =	sshll.u32 s0, $0xA;
	s2 =	sadd.s32 s3, s2  }
0x8d: {  	s2 =	sadd.s32 s2, s17  }
0x8e: {  	[smem:$0x3FBC] =	sst s2  }
0x8f: {  	_ = 	snop  }
0x90: {  	s2 =	sld [smem:$0x3FD0];
	(tm) =	ssettm $0x1  }
0x91: {  	s18 =	sld [smem:$0x3FFB];
	_ =	sdelay $0x3  }
0x92: {  	_ =	strace s18  }
0x93: {  	s3 =	sld [smem:$0x3FFC];
	_ =	sdelay $0x3  }
0x94: {  	_ =	strace s3  }
0x95: {  	s3 =	sld [smem:$0x3FFD];
	_ =	sdelay $0x3  }
0x96: {  	_ =	strace s3  }
0x97: {  	_ =	strace $0x8FFFFFFF  }
0x98: {  	s19 =	sld [smem:$0x3FDB];
	_ =	sdelay $0x1  }
0x99: {  	s4 =	simm.s32 $_scs_section_size  }
0x9a: {  	s5 =	simm.s32 $_size__tile_overlayer_lowered;
	s6 =	simm.s32 $_tile_overlayer_lowered  }
0x9b: {  	s22 =	simm.s32 $0x1BFF;
	s21 =	sshll.u32 s6, $0x1;
	s3 =	sadd.s32 s4, s19  }
0x9c: {  	s7 =	simm.s32 $0x0;
	s20 =	sshll.u32 s5, $0x1;
	s5 =	sadd.s32 s21, s3  }
0x9d: {  	[timem:s7], [sflag:s22] =	dma.local [hbm:s5], s20  }
0x9e: {  	_ =	swait.ge [sflag:s22], s20  }
0x9f: {  	s4 =	ssub.s32 $0x0, s20;
	[sflag:s22] =	ssyncset.done $0x0  }
0xa0: {  	[sflag:s22] =	ssyncadd.s32 s4;
	_ =	sdelay $0x1  }
0xa1: {  	s23 =	simm.s32 $0x1B8B  }
0xa2: {  	_ =	swait.ge [sflag:s23], $0x1  }
0xa3: {  	[sflag:s23] =	ssyncset.done $0x0  }
0xa4: {  	s25 =	simm.s32 $0x1B8E;
	s24 =	sld [smem:$0x3FFE];
	[sflag:s23] =	ssyncadd.s32 $0xFFFFFFFF  }
0xa5: {  	s26 =	simm.s32 $execute0_lowered;
	[smem:$0x3FD2] =	sst s25  }
0xa6: {  	s5 =	sshll.u32 s26, $0x1;
	_ =	strace $0x80000049;
	[dreg:$0x1] =	wrdreg $0xFFFFFFFF  }
0xa7: {  	s28 =	simm.s32 $_size_execute0_lowered;
	s3 =	sadd.s32 s3, s5;
	[dreg:$0x0] =	wrdreg $0x0  }
0xa8: {  	s5 =	sshll.u32 s28, $0x1;
	[dreg:$0x2] =	wrdreg s3  }
0xa9: {  	[dreg:$0x3] =	wrdreg s5  }
0xaa: {  	[dreg:$0x4] =	wrdreg $0xC0  }
0xab: {  	_ =	task [dreg:s7], $0x5FFFF  }
0xac: {  	[dreg:$0x1] =	wrdreg $0xFFFFFFFF  }
0xad: {  	[dreg:$0x0] =	wrdreg $0x60  }
0xae: {  	[dreg:$0x2] =	wrdreg s24  }
0xaf: {  	[dreg:$0x3] =	wrdreg s2  }
0xb0: {  	[dreg:$0x4] =	wrdreg $0x130000  }
0xb1: {  	[dreg:$0x5] =	wrdreg $0x9  }
0xb2: {  	_ =	task.clear_ibuf [dreg:s7], $0x6FFFF;
	_ =	strace $0x90000049  }
0xb3: {  	s29 =	simm.s32 $0x9;
	_ =	strace $0x8000004B  }
0xb4: {  	_ =	swait.ge [sflag:s29], $0x1  }
0xb5: {  	[sflag:s29] =	ssyncadd.s32 $0xFFFFFFFF  }
0xb6: {  	_ =	strace $0x9000004B  }
0xb7: {  	_ =	sfence  }
0xb8: {  	s30 =	sld [smem:$0x0];
	_ =	sdelay $0x2  }
0xb9: {  	s31 =	sshll.u32 s1, $0xD;
	s1 =	sshrl.u32 s1, $0x2  }
0xba: {  	s3 =	sand.u32 $0x4000, s31;
	s1 =	sadd.s32 s1, s30  }
0xbb: {  	s0 =	sor.u32 s3, s0;
	s1 =	sshll.u32 s1, $0x11  }
0xbc: {  	s0 =	sor.u32 s1, s0  }
0xbd: {  	s0 =	sadd.s32 $0x8F2B, s0  }
0xbe: {  	[sflag:s0] =	ssyncadd.remote.s32 $0x1  }
0xbf: {  	_ =	sfence.sel $0xFFFF  }
0xc0: {  	[dreg:$0x0] =	wrdreg $0xFFFFFFFF;
	(pc) =	sbr.abs _section_cstart, $3  }
0xc1: {  	[dreg:$0x1] =	wrdreg $0xFFFFFFFF  }
0xc2: {  	_ =	task.clear_ibuf [dreg:s7], $0x2FFFF;
	_ =	strace $0x9FFFFFFF  }
0xc3: {  	(tm) =	ssettm $0x7FFFFFFF  }
tec
execute0_lowered:
.L_overlay_start_1:
0x0: {  	(tag) =	ssettag $0x1  }
0x1: {  	s2 =	rddreg [dreg:$0x0]  }
0x2: {  	s0 =	srdreg.scid;
	s3 =	rddreg [dreg:$0x1]  }
0x3: {  	s23 =	stileid.u32;
	s4 =	rddreg [dreg:$0x2];
	s5 =	simm.s32 $0x0  }
0x4: {  	s12 =	simm.s32 $0xC000;
	s14 =	simm.s32 $0xF800;
	s15 =	simm.s32 $0x4  }
0x5: {  	s16 =	simm.s32 $0x80;
	s17 =	simm.s32 $0xC080;
	s8 =	smul.u32 $0x3800, s23  }
0x6: {  	s18 =	simm.s32 $0x4000;
	s19 =	simm.s32 $0xC100;
	s10 =	smul.u32 $0xBC00, s23  }
0x7: {  	s20 =	simm.s32 $0x8000;
	s6 =	sand.u32 $0x1, s0;
	s30 =	smul.u32 $0x2F000, s23  }
0x8: {  	s21 =	simm.s32 $0x5;
	s22 =	simm.s32 $0x0;
	s7 =	smul.u32 $0x38000, s6  }
0x9: {  	[smem:$0x7FF] =	sst s5;
	s31 =	sshll.u32 s23, $0x6;
	s9 =	smul.u32 $0xBC000, s6  }
0xa: {  	s29 =	ssub.s32 $0x2, s6;
	p0 =	seq.s32 s6, $0x0;
	s6 =	simm.s32 $0x6E  }
0xb: {  	_ =	strace $0x8000004A;
	s11 =	sshrl.u32 s29, $0x1;
	s6 =	simm.s32 @!p0 $0x5E  }
0xc: {  	s7 =	sadd.s32 s8, s7;
	s24 =	sadd.s32 s10, s9;
	s11 =	ssub.s32 s29, s11  }
0xd: {  	s8 =	sshrl.u32 s30, $0x2;
	s7 =	sshrl.u32 s7, $0x3;
	s26 =	sshrl.u32 s24, $0x3  }
0xe: {  	s13 =	sadd.s32 s8, s4;
	s8 =	sor.u32 $0x1C05, s31;
	s11 =	smax.u32 s11, $0x1  }
0xf: {  	s25 =	sadd.s32 s7, s2;
	s28 =	sadd.s32 s26, s2;
	s13 =	sshrl.u32 s13, $0x3  }
0x10: {  	s7 =	sadd.s32 $0x22000, s25;
	s9 =	sadd.s32 $0x14000, s25;
	s10 =	sadd.s32 $0x30000, s28  }
.LBB2_1:
0x11: {  	[tilespmem:s12], [sflag:$0x4] =	stream.linear.gather [hbm4b:s7+s5], $0x3700, $0x38;
	[tilespmem:$0x1EC00] =	vst v63  }
0x12: {  	[spmem:s13], [sflag:s8] =	dma.local [hbm:s2], $0x1780  }
0x13: {  	_ =	swait.ge [sflag:s21], $0x1780  }
0x14: {  	[sflag:s21] =	ssyncset.done $0x0  }
0x15: {  	[sflag:s21] =	ssyncadd.s32 $0xFFFFE880  }
0x16: {  	[tilespmem:s14], [sflag:$0x4] =	stream.linear.gather [hbm4b:s9+s5], $0x3700, $0x38;
	[tilespmem:$0x1EC00] =	vst v63  }
0x17: {  	_ =	swait.ge [sflag:s15], $0x3700  }
0x18: {  	[sflag:s15] =	ssyncset.done $0x0  }
0x19: {  	[sflag:s15] =	ssyncadd.s32 $0xFFFFC900  }
0x1a: {  	_ =	swait.ge [sflag:s15], $0x3700  }
0x1b: {  	[sflag:s15] =	ssyncset.done $0x0  }
0x1c: {  	[sflag:s15] =	ssyncadd.s32 $0xFFFFC900  }
0x1d: {  	[bflag:$0x0] =	sbarrier.arrive $0xFFFF  }
0x1e: {  	[tilespmem:s5], [sflag:$0x1] =	stream.indirect.gather [hbm4b:s3+s16], $0x80, s12, s16, $0xb8;
	[tilespmem:$0x1EC00] =	vst v63  }
0x1f: {  	p0 =	sle.u32 s6, $0x0  }
0x20: {  	[tilespmem:s18], [sflag:$0x2] =	stream.indirect.gather [hbm4b:s3+s16], $0x80, s17, s16, $0xb8;
	[tilespmem:$0x1EC00] =	vst v63  }
0x21: {  	s23 =	simm.s32 @!p0 $0x1  }
0x22: {  	[tilespmem:s20], [sflag:$0x3] =	stream.indirect.gather [hbm4b:s3+s16], $0x80, s19, s16, $0xb8;
	[tilespmem:$0x1EC00] =	vst v63  }
0x23: {  	s24 =	simm.s32 @!p0 $0x5;
	_ =	swait.ge @!p0 [sflag:s23], $0x4000  }
0x24: {  	s25 =	simm.s32 @!p0 $0xF800;
	s26 =	simm.s32 @!p0 $0x0;
	[sflag:s23] =	ssyncset.done @!p0 $0x0  }
0x25: {  	p1 =	sle.u32 @!p0 s6, $0x3;
	[sflag:s23] =	ssyncadd.s32 @!p0 $0xFFFFC000;
	s23 =	simm.s32 @!p0 $0x80  }
0x26: {  	[spmem:s4] =	stream.indirect.scatter.add.f32 @!p0 [tilespmem:s26], [sflag:$0x5], $0x80, s25, s23, $0xb8;
	[tilespmem:$0x1EC00] =	vst v63  }
0x27: {  	p2 =	por p1, p0;
	p1 =	sle.u32 s6, $0x1;
	_ =	swait.ge @!p0 [sflag:s24], $0x4000  }
0x28: {  	s23 =	simm.s32 @!p2 $0xC180;
	s25 =	simm.s32 @!p1 $0x2;
	[sflag:s24] =	ssyncset.done @!p0 $0x0  }
0x29: {  	s26 =	simm.s32 @!p2 $0x0;
	[sflag:s24] =	ssyncadd.s32 @!p0 $0xFFFFC000;
	s24 =	simm.s32 @!p2 $0x80  }
0x2a: {  	[tilespmem:s26], [sflag:$0x1] =	stream.indirect.gather @!p2 [hbm4b:s3+s24], $0x80, s23, s24, $0xb8;
	[tilespmem:$0x1EC00] =	vst v63  }
0x2b: {  	s28 =	simm.s32 @!p1 $0x4000;
	_ =	swait.ge @!p1 [sflag:s25], $0x4000  }
0x2c: {  	s23 =	simm.s32 @!p1 $0xF880;
	p2 =	sle.u32 @!p1 s6, $0x4;
	[sflag:s25] =	ssyncset.done @!p1 $0x0  }
0x2d: {  	s24 =	simm.s32 @!p1 $0x5;
	s26 =	simm.s32 @!p1 $0x80;
	[sflag:s25] =	ssyncadd.s32 @!p1 $0xFFFFC000  }
0x2e: {  	[spmem:s4] =	stream.indirect.scatter.add.f32 @!p1 [tilespmem:s28], [sflag:$0x5], $0x80, s23, s26, $0xb8;
	[tilespmem:$0x1EC00] =	vst v63  }
0x2f: {  	p2 =	por p2, p1;
	_ =	swait.ge @!p1 [sflag:s24], $0x4000  }
0x30: {  	p0 =	sle.u32 s6, $0x2;
	s25 =	simm.s32 @!p2 $0xC200;
	[sflag:s24] =	ssyncset.done @!p1 $0x0  }
0x31: {  	s23 =	simm.s32 @!p2 $0x4000;
	[sflag:s24] =	ssyncadd.s32 @!p1 $0xFFFFC000;
	s24 =	simm.s32 @!p2 $0x80  }
0x32: {  	[tilespmem:s23], [sflag:$0x2] =	stream.indirect.gather @!p2 [hbm4b:s3+s24], $0x80, s25, s24, $0xb8;
	[tilespmem:$0x1EC00] =	vst v63  }
0x33: {  	s26 =	simm.s32 @!p0 $0x3;
	p1 =	sle.u32 @!p0 s6, $0x5;
	s23 =	simm.s32 @!p0 $0xF900  }
0x34: {  	p2 =	por p1, p0;
	s24 =	simm.s32 @!p0 $0x80;
	_ =	swait.ge @!p0 [sflag:s26], $0x4000  }
0x35: {  	s25 =	simm.s32 @!p0 $0x8000;
	s28 =	simm.s32 @!p2 $0x80;
	[sflag:s26] =	ssyncset.done @!p0 $0x0  }
0x36: {  	s29 =	simm.s32 @!p2 $0x8000;
	[sflag:s26] =	ssyncadd.s32 @!p0 $0xFFFFC000;
	s26 =	simm.s32 @!p0 $0x5  }
0x37: {  	[spmem:s4] =	stream.indirect.scatter.add.f32 @!p0 [tilespmem:s25], [sflag:$0x5], $0x80, s23, s24, $0xb8;
	[tilespmem:$0x1EC00] =	vst v63  }
0x38: {  	s23 =	simm.s32 $0x8;
	s25 =	simm.s32 @!p2 $0xC280;
	s24 =	simm.s32 $0x0  }
.LBB2_2:
0x39: {  	_ =	swait.ge @!p0 [sflag:s26], $0x4000  }
0x3a: {  	s24 =	sadd.s32 $0x600, s24;
	s30 =	smov.u32 s23;
	s23 =	sadd.s32 $0x3, s23  }
0x3b: {  	p1 =	sne.s32 s23, $0x74;
	[sflag:s26] =	ssyncset.done @!p0 $0x0  }
0x3c: {  	s31 =	sadd.s32 $0xFFFFFFFB, s30;
	[sflag:s26] =	ssyncadd.s32 @!p0 $0xFFFFC000  }
0x3d: {  	[tilespmem:s29], [sflag:$0x3] =	stream.indirect.gather @!p2 [hbm4b:s3+s28], $0x80, s25, s28, $0xb8;
	[tilespmem:$0x1EC00] =	vst v63  }
0x3e: {  	p2 =	sge.u32 s31, s6;
	s25 =	sadd.s32 $0xFFFFFFFD, s30  }
0x3f: {  	s26 =	simm.s32 @!p2 $0x1;
	s28 =	sshra.s32 @!p2 s24, $0x2;
	s29 =	simm.s32 @!p2 $0x5  }
0x40: {  	s31 =	sadd.s32 @!p2 $0xFFFFFFFE, s30;
	s28 =	sadd.s32 @!p2 $0xF800, s28;
	_ =	swait.ge @!p2 [sflag:s26], $0x4000  }
0x41: {  	p0 =	sge.u32 s25, s6;
	p3 =	sge.u32 @!p2 s31, s6;
	[sflag:s26] =	ssyncset.done @!p2 $0x0  }
0x42: {  	s25 =	simm.s32 @!p2 $0x80;
	[sflag:s26] =	ssyncadd.s32 @!p2 $0xFFFFC000;
	s26 =	simm.s32 @!p2 $0x0  }
0x43: {  	[spmem:s4] =	stream.indirect.scatter.add.f32 @!p2 [tilespmem:s26], [sflag:$0x5], $0x80, s28, s25, $0xb8;
	[tilespmem:$0x1EC00] =	vst v63  }
0x44: {  	p4 =	por p3, p2;
	s25 =	sshra.s32 @!p0 s24, $0x2;
	_ =	swait.ge @!p2 [sflag:s29], $0x4000  }
0x45: {  	s26 =	sshra.s32 @!p4 s24, $0x2;
	s28 =	sadd.s32 $0xFFFFFFFC, s30;
	[sflag:s29] =	ssyncset.done @!p2 $0x0  }
0x46: {  	s26 =	sadd.s32 @!p4 $0xC180, s26;
	p3 =	sge.u32 s28, s6;
	[sflag:s29] =	ssyncadd.s32 @!p2 $0xFFFFC000  }
0x47: {  	s28 =	simm.s32 @!p4 $0x80;
	s31 =	sshra.s32 @!p3 s24, $0x2;
	s29 =	simm.s32 @!p3 $0x2  }
0x48: {  	s1 =	simm.s32 @!p4 $0x0;
	s0 =	sadd.s32 @!p3 $0xFFFFFFFF, s30;
	s31 =	sadd.s32 @!p3 $0xF880, s31  }
0x49: {  	p5 =	sge.u32 @!p3 s0, s6;
	s0 =	sadd.s32 @!p0 $0xF900, s25;
	p2 =	sge.u32 @!p0 s30, s6  }
0x4a: {  	[tilespmem:s1], [sflag:$0x1] =	stream.indirect.gather @!p4 [hbm4b:s3+s28], $0x80, s26, s28, $0xb8;
	[tilespmem:$0x1EC00] =	vst v63  }
0x4b: {  	s1 =	simm.s32 @!p3 $0x5;
	p4 =	por p5, p3;
	_ =	swait.ge @!p3 [sflag:s29], $0x4000  }
0x4c: {  	s25 =	simm.s32 @!p3 $0x80;
	s26 =	simm.s32 @!p3 $0x4000;
	[sflag:s29] =	ssyncset.done @!p3 $0x0  }
0x4d: {  	s28 =	sshra.s32 @!p4 s24, $0x2;
	[sflag:s29] =	ssyncadd.s32 @!p3 $0xFFFFC000;
	s29 =	simm.s32 @!p4 $0x4000  }
0x4e: {  	[spmem:s4] =	stream.indirect.scatter.add.f32 @!p3 [tilespmem:s26], [sflag:$0x5], $0x80, s31, s25, $0xb8;
	[tilespmem:$0x1EC00] =	vst v63  }
0x4f: {  	s25 =	sadd.s32 @!p4 $0xC200, s28;
	s28 =	simm.s32 @!p0 $0x3;
	_ =	swait.ge @!p3 [sflag:s1], $0x4000  }
0x50: {  	p2 =	por p2, p0;
	[sflag:s1] =	ssyncset.done @!p3 $0x0  }
0x51: {  	s30 =	sshra.s32 @!p2 s24, $0x2;
	[sflag:s1] =	ssyncadd.s32 @!p3 $0xFFFFC000;
	s1 =	simm.s32 @!p4 $0x80  }
0x52: {  	[tilespmem:s29], [sflag:$0x2] =	stream.indirect.gather @!p4 [hbm4b:s3+s1], $0x80, s25, s1, $0xb8;
	[tilespmem:$0x1EC00] =	vst v63  }
.Ltmp0:
0x53: {  	_ = 	snop;
	(pc) =	sbr.rel @p1 .LBB2_2-.Ltmp0, $4  }
0x54: {  	s31 =	simm.s32 @!p0 $0x8000;
	s1 =	simm.s32 @!p0 $0x80;
	_ =	swait.ge @!p0 [sflag:s28], $0x4000  }
0x55: {  	s26 =	simm.s32 @!p0 $0x5;
	s25 =	sadd.s32 @!p2 $0xC280, s30;
	[sflag:s28] =	ssyncset.done @!p0 $0x0  }
0x56: {  	s29 =	simm.s32 @!p2 $0x8000;
	[sflag:s28] =	ssyncadd.s32 @!p0 $0xFFFFC000;
	s28 =	simm.s32 @!p2 $0x80  }
0x57: {  	[spmem:s4] =	stream.indirect.scatter.add.f32 @!p0 [tilespmem:s31], [sflag:$0x5], $0x80, s0, s1, $0xb8;
	[tilespmem:$0x1EC00] =	vst v63  }
0x58: {  	_ =	swait.ge @!p0 [sflag:s26], $0x4000  }
0x59: {  	s22 =	sadd.s32 $0x1, s22;
	[sflag:s26] =	ssyncset.done @!p0 $0x0  }
0x5a: {  	[sflag:s26] =	ssyncadd.s32 @!p0 $0xFFFFC000;
	p0 =	sne.s32 s22, s11  }
0x5b: {  	[tilespmem:s29], [sflag:$0x3] =	stream.indirect.gather @!p2 [hbm4b:s3+s28], $0x80, s25, s28, $0xb8;
	[tilespmem:$0x1EC00] =	vst v63  }
.Ltmp1:
0x5c: {  	[bflag:$0x0] =	sbarrier.arrive $0xFFFF;
	(pc) =	sbr.rel @p0 .LBB2_1-.Ltmp1, $4  }
0x5d: {  	[hbm:s10], [sflag:s8] =	dma.local [spmem:s13], $0x1780  }
0x5e: {  	_ =	swait.ge [sflag:s21], $0x1780  }
0x5f: {  	[sflag:s21] =	ssyncset.done $0x0  }
0x60: {  	[sflag:s21] =	ssyncadd.s32 $0xFFFFE880  }
0x61: {  	_ =	sfence.sel $0x180000  }
0x62: {  	[bflag:$0x0] =	sbarrier.arrive $0xFFFF  }
0x63: {  	_ =	strace $0x9000004A  }
0x64: {  	s0 =	stileid.u32;
	[bflag:$0x2] =	sbarrier.arrive $0xFFFF  }
0x65: {  	p0 =	sne.s32 s0, $0x0;
	s0 =	rddreg [dreg:$0x3]  }
0x66: {  	s0 =	sadd.s32 @!p0 $0x100000, s0  }
0x67: {  	[sflag:s0] =	ssyncadd.tile.s32 @!p0 $0x1;
	_ =	shalt  }
.Lfunc_end2:
_tile_overlayer_lowered:
.L_overlay_start_2:
0x68: {  	(tag) =	ssettag $0x2  }
0x69: {  	s0 =	rddreg [dreg:$0x0];
	s2 =	stileid.u32  }
0x6a: {  	s1 =	rddreg [dreg:$0x1];
	p0 =	sne.s32 s2, $0x0  }
0x6b: {  	s3 =	rddreg [dreg:$0x2];
	[bflag:$0x3] =	sbarrier.arrive $0xFFFF;
	s2 =	simm.s32 @!p0 $0x1C05  }
0x6c: {  	[timem:s3], [sflag:s2] =	dma.local @!p0 [hbm:s0], s1  }
0x6d: {  	s0 =	simm.s32 @!p0 $0x5  }
0x6e: {  	_ =	swait.ge @!p0 [sflag:s0], s1  }
0x6f: {  	s1 =	ssub.s32 @!p0 $0x0, s1;
	[sflag:s0] =	ssyncset.done @!p0 $0x0  }
0x70: {  	[sflag:s0] =	ssyncadd.s32 @!p0 s1  }
0x71: {  	[bflag:$0x3] =	sbarrier.arrive $0xFFFF  }
0x72: {  	_ =	shalt  }

</sc_bundles>
